<compile_context>
chip_gen: v7x
topology: tpu7x:2x2x1
jax: 0.10.2.dev20260603
libtpu: 0.0.44.dev20260713+nightly
codegen_flags: <defaults>
</compile_context>

<pallas_src>
import functools

import jax
import jax.numpy as jnp
import numpy as np
from jax import lax
from jax.experimental import pallas as pl
from jax.experimental.pallas import tpu as pltpu
from jax.experimental.pallas import tpu_sc as plsc

DIM = 1024
HEADS = 8
TOPK = 16
DIM_KEY = 512
NUM_KEYS = 128
SEQ = 2048
PH = 2 * HEADS
NCAND = TOPK * TOPK
BN = 512
NWORK = 32
TPW = SEQ // NWORK

_HIGH = lax.Precision.DEFAULT

_CNT = (16, 8, 5, 4, 3, 2, 2, 2, 1, 1, 1, 1, 1, 1, 1, 1)
NLANE = 64


def _pkmap_np():
    pk = np.full((NLANE,), 4096.0, np.float32)
    o = 0
    for i, c in enumerate(_CNT):
        pk[o:o + c] = i * TOPK + np.arange(c)
        o += c
    return pk


def _wsim_body(kt_ref, wq_ref, out_ref):
    out_ref[...] = lax.dot_general(
        kt_ref[0], wq_ref[...], (((1,), (1,)), ((), ())),
        precision=_HIGH, preferred_element_type=jnp.float32)


def _compute_wsimT(keysPH, Wq):
    return pl.pallas_call(
        _wsim_body,
        grid=(PH,),
        in_specs=[
            pl.BlockSpec((1, NUM_KEYS, DIM_KEY), lambda i: (i, 0, 0)),
            pl.BlockSpec((DIM, DIM_KEY), lambda i: (0, i)),
        ],
        out_specs=pl.BlockSpec((NUM_KEYS, DIM), lambda i: (i, 0)),
        out_shape=jax.ShapeDtypeStruct((PH * NUM_KEYS, DIM), jnp.float32),
    )(keysPH, Wq)


def _route_body(x_ref, wsimT_ref, pkmap_ref, w_ref, pk_ref):
    simT = lax.dot_general(wsimT_ref[...], x_ref[...], (((1,), (1,)), ((), ())),
                           precision=_HIGH, preferred_element_type=jnp.float32)
    v = simT.reshape(PH, NUM_KEYS, BN)
    iota = lax.broadcasted_iota(jnp.int32, (PH, NUM_KEYS, BN), 1).astype(jnp.float32)
    cols = []
    for _ in range(TOPK):
        m = jnp.max(v, axis=1, keepdims=True)
        cols.append(m)
        first = jnp.min(jnp.where(v == m, iota, 128.0), axis=1, keepdims=True)
        v = jnp.where(iota == first, -jnp.inf, v)
    sx = jnp.concatenate(cols, axis=1)
    a, b = sx[:HEADS], sx[HEADS:]
    pieces = [a[:, i:i + 1, :] + b[:, :c, :] for i, c in enumerate(_CNT)]
    pieces.append(jnp.full((HEADS, NLANE - 50, BN), -jnp.inf, jnp.float32))
    cand = jnp.concatenate(pieces, axis=1)
    pkv = pkmap_ref[...][None, :, 0:1]
    sc, pk = [], []
    for _ in range(TOPK):
        m = jnp.max(cand, axis=1, keepdims=True)
        first = jnp.min(jnp.where(cand == m, pkv, 4096.0), axis=1, keepdims=True)
        sc.append(m)
        pk.append(first)
        cand = jnp.where(pkv == first, -jnp.inf, cand)
    scores = jnp.concatenate(sc, axis=1)
    pks = jnp.concatenate(pk, axis=1).astype(jnp.int32)
    e = jnp.exp(scores - scores[:, 0:1, :])
    w_ref[...] = e / jnp.sum(e, axis=1, keepdims=True)
    pk_ref[...] = pks


def _route(x2, wsimT, pkmap):
    return pl.pallas_call(
        _route_body,
        grid=(SEQ // BN,),
        in_specs=[
            pl.BlockSpec((BN, DIM), lambda i: (i, 0)),
            pl.BlockSpec((PH * NUM_KEYS, DIM), lambda i: (0, 0)),
            pl.BlockSpec((NLANE, 128), lambda i: (0, 0)),
        ],
        out_specs=[
            pl.BlockSpec((HEADS, TOPK, BN), lambda i: (0, 0, i)),
            pl.BlockSpec((HEADS, TOPK, BN), lambda i: (0, 0, i)),
        ],
        out_shape=[
            jax.ShapeDtypeStruct((HEADS, TOPK, SEQ), jnp.float32),
            jax.ShapeDtypeStruct((HEADS, TOPK, SEQ), jnp.int32),
        ],
    )(x2, wsimT, pkmap)


def _scatter_sc(pk, w, zeros):
    mesh = plsc.VectorSubcoreMesh(core_axis_name="c", subcore_axis_name="s",
                                  num_cores=2, num_subcores=16)
    nhk = HEADS * TOPK
    chunk = TPW

    @functools.partial(
        pl.kernel,
        out_type=jax.ShapeDtypeStruct((SEQ * NCAND,), jnp.float32),
        mesh=mesh,
        compiler_params=pltpu.CompilerParams(needs_layout_passes=False),
        scratch_types=[
            pltpu.VMEM((nhk * chunk,), jnp.int32),
            pltpu.VMEM((nhk * chunk,), jnp.float32),
            pltpu.VMEM((TPW * NCAND,), jnp.float32),
        ],
    )
    def k(pk_hbm, w_hbm, z_hbm, out_hbm, idx_v, w_v, acc_v):
        wid = lax.axis_index("s") * 2 + lax.axis_index("c")
        wwords = nhk * chunk
        pltpu.sync_copy(pk_hbm.at[pl.ds(wid * wwords, wwords)], idx_v)
        pltpu.sync_copy(w_hbm.at[pl.ds(wid * wwords, wwords)], w_v)
        pltpu.sync_copy(z_hbm, acc_v)
        tok = lax.iota(jnp.int32, 16) * NCAND

        def body(hk, carry):
            for t16 in range(TPW // 16):
                sl = pl.ds(hk * chunk + t16 * 16, 16)
                idx = idx_v[sl] + tok + (t16 * 16 * NCAND)
                plsc.addupdate_scatter(acc_v, [idx], w_v[sl])
            return carry

        lax.fori_loop(0, nhk, body, 0)
        pltpu.sync_copy(acc_v, out_hbm.at[pl.ds(wid * TPW * NCAND, TPW * NCAND)])

    pk_f = pk.reshape(nhk, NWORK, chunk).transpose(1, 0, 2).reshape(-1)
    w_f = w.reshape(nhk, NWORK, chunk).transpose(1, 0, 2).reshape(-1)
    return k(pk_f, w_f, zeros).reshape(SEQ, NCAND)


def _out_body(x_ref, dT_ref, up_ref, s_ref, o_ref):
    hd = lax.dot(x_ref[...], dT_ref[...],
                 precision=_HIGH, preferred_element_type=jnp.float32)
    g = 0.5 * hd * (1.0 + lax.erf(hd * (2.0 ** -0.5)))
    c = g * s_ref[...]
    o_ref[...] = lax.dot(c, up_ref[...],
                         precision=_HIGH, preferred_element_type=jnp.float32)


def _expert_combine(x2, downT, up256, s):
    return pl.pallas_call(
        _out_body,
        grid=(SEQ // BN,),
        in_specs=[
            pl.BlockSpec((BN, DIM), lambda i: (i, 0)),
            pl.BlockSpec((DIM, NCAND), lambda i: (0, 0)),
            pl.BlockSpec((NCAND, DIM), lambda i: (0, 0)),
            pl.BlockSpec((BN, NCAND), lambda i: (i, 0)),
        ],
        out_specs=pl.BlockSpec((BN, DIM), lambda i: (i, 0)),
        out_shape=jax.ShapeDtypeStruct((SEQ, DIM), jnp.float32),
    )(x2, downT, up256, s)


def kernel(x, Wq, keys, down_embed, up_embed):
    b, n, d = x.shape
    x2 = x.reshape(n, d)
    keysPH = keys.transpose(2, 0, 1, 3).reshape(PH, NUM_KEYS, DIM_KEY)
    wsimT = _compute_wsimT(keysPH, Wq)
    pkmap = jnp.broadcast_to(jnp.asarray(_pkmap_np())[:, None], (NLANE, 128))
    w, pk = _route(x2, wsimT, pkmap)
    zeros = jnp.zeros((TPW * NCAND,), jnp.float32)
    s = _scatter_sc(pk, w, zeros)
    downT = down_embed[:NCAND].T
    up256 = up_embed[:NCAND]
    out = _expert_combine(x2, downT, up256, s)
    return out.reshape(b, n, d)

# --- scband reference (transcript-rebuilt; emitter-appended) ---
"""Pipeline reference for scband-peer-20882130993294 (READ-ONLY COPY).

The authoritative reference and input builder live on the scoring server;
editing this copy changes nothing except your own understanding.
"""

import jax, jax.numpy as jnp
import numpy as np

DIM = 1024
HEADS = 8
NUM_EXPERTS = 16384
TOPK = 16          # num_experts_per_head == product_key_topk (default)
DIM_KEY = DIM // 2 # 512
NUM_KEYS = int(NUM_EXPERTS ** 0.5)  # 128
BATCH = 1
SEQ = 2048


def setup_inputs(seed: int = 0) -> dict:
    key = jax.random.key(seed)
    k1, k2, k3, k4, k5 = jax.random.split(key, 5)
    x = jax.random.normal(k1, (BATCH, SEQ, DIM), dtype=jnp.float32)
    # to_queries Linear(dim, dim_key*heads*2, bias=False); stored as [in, out] for x @ Wq
    Wq = jax.random.normal(k2, (DIM, 2 * HEADS * DIM_KEY), dtype=jnp.float32) / np.sqrt(DIM)
    # product keys: [heads, num_keys, 2, dim_key]
    keys = jax.random.normal(k3, (HEADS, NUM_KEYS, 2, DIM_KEY), dtype=jnp.float32)
    # expert embedding tables (num_expert_sets = 1 since separate_embed_per_head=False)
    down_embed = jax.random.normal(k4, (NUM_EXPERTS, DIM), dtype=jnp.float32) * 0.02
    up_embed = jax.random.normal(k5, (NUM_EXPERTS, DIM), dtype=jnp.float32) * 0.02
    return {"x": x, "Wq": Wq, "keys": keys, "down_embed": down_embed, "up_embed": up_embed}


def reference(x, Wq, keys, down_embed, up_embed):
    b, n, d = x.shape
    # pre_rmsnorm=False -> identity norm
    q = x @ Wq  # [b, n, 2*h*dk]
    # Rearrange 'b n (p h d) -> p b n h d'
    q = q.reshape(b, n, 2, HEADS, DIM_KEY).transpose(2, 0, 1, 3, 4)
    # einsum 'p b n h d, h k p d -> p b n h k'
    sim = jnp.einsum('pbnhd,hkpd->pbnhk', q, keys)
    scores_x, indices_x = jax.lax.top_k(sim[0], TOPK)
    scores_y, indices_y = jax.lax.top_k(sim[1], TOPK)
    all_scores = (scores_x[..., :, None] + scores_y[..., None, :]).reshape(b, n, HEADS, TOPK * TOPK)
    all_indices = (indices_x[..., :, None] * NUM_KEYS + indices_y[..., None, :]).reshape(b, n, HEADS, TOPK * TOPK)
    scores, pk_indices = jax.lax.top_k(all_scores, TOPK)
    # actual expert indices (computed as in torch code; unused for output when
    # separate_embed_per_head=False, since the torch code gathers with pk_indices)
    indices = jnp.take_along_axis(all_indices, pk_indices, axis=-1)
    # NOTE: faithful to the torch code, which indexes the embedding tables with
    # pk_indices (positions within the topk*topk candidate list), not `indices`.
    weights_down = jnp.take(down_embed, pk_indices, axis=0)  # [b, n, h, k, d]
    weights_up = jnp.take(up_embed, pk_indices, axis=0)      # [b, n, h, k, d]
    h = jnp.einsum('bnd,bnhkd->bnhk', x, weights_down)
    h = jax.nn.gelu(h, approximate=False)  # nn.GELU default: exact erf
    # dropout p=0.0 -> identity
    h = h * jax.nn.softmax(scores, axis=-1)
    out = jnp.einsum('bnhk,bnhkd->bnd', h, weights_up)
    return out

if __name__ == "__main__":
    import jax
    _d = setup_inputs()
    print(jax.jit(kernel)(*tuple(_d.values())))

</pallas_src>

<mosaic_0001>
#map = affine_map<(d0, d1) -> (0)>
module attributes {stable_mosaic.version = 14 : i64} {
  func.func @k(%arg0: i32, %arg1: i32, %arg2: memref<262144xi32, #tpu.memory_space<hbm>>, %arg3: memref<262144xf32, #tpu.memory_space<hbm>>, %arg4: memref<16384xf32, #tpu.memory_space<hbm>>, %arg5: memref<524288xf32, #tpu.memory_space<hbm>>, %arg6: memref<8192xi32, #tpu.memory_space<vmem>>, %arg7: memref<8192xf32, #tpu.memory_space<vmem>>, %arg8: memref<16384xf32, #tpu.memory_space<vmem>>) attributes {dimension_semantics = [#tpu.dimension_semantics<core_parallel>, #tpu.dimension_semantics<subcore_parallel>], iteration_bounds = array<i64: 2, 16>, scalar_prefetch = 0 : i64, scratch_operands = 3 : i64, tpu.core_type = #tpu.core_type<sc_vector_subcore>, window_params = [{transform_indices = #map}, {transform_indices = #map}, {transform_indices = #map}, {transform_indices = #map}]} {
    %mul3A = arith.constant 2 : i32
    %mul3A_0 = arith.muli %arg1, %mul3A : i32
    %add3A = arith.addi %mul3A_0, %arg0 : i32
    %mul3A_1 = arith.constant 8192 : i32
    %mul3A_2 = arith.muli %add3A, %mul3A_1 : i32
    "tpu.region"() ({
      %run_scoped3A = tpu.sem_alloc : memref<!tpu.dma_semaphore, #tpu.memory_space<semaphore_mem>>
      %dma_start3A = tpu.memref_slice %arg2[%mul3A_2] : memref<262144xi32, #tpu.memory_space<hbm>> -> memref<8192xi32, #tpu.memory_space<hbm>>
      %dma_start3A_17 = tpu.memref_slice %arg2[%mul3A_2] : memref<262144xi32, #tpu.memory_space<hbm>> -> memref<8192xi32, #tpu.memory_space<hbm>>
      tpu.enqueue_dma source(%dma_start3A_17 : memref<8192xi32, #tpu.memory_space<hbm>>) target(%arg6 : memref<8192xi32, #tpu.memory_space<vmem>>) target_semaphore(%run_scoped3A : memref<!tpu.dma_semaphore, #tpu.memory_space<semaphore_mem>>)
      %dma_wait3A = tpu.memref_slice %arg2[%mul3A_2] : memref<262144xi32, #tpu.memory_space<hbm>> -> memref<8192xi32, #tpu.memory_space<hbm>>
      %dma_wait3A_18 = tpu.memref_slice %arg2[%mul3A_2] : memref<262144xi32, #tpu.memory_space<hbm>> -> memref<8192xi32, #tpu.memory_space<hbm>>
      tpu.wait_dma2 semaphore(%run_scoped3A : memref<!tpu.dma_semaphore, #tpu.memory_space<semaphore_mem>>) src(%dma_wait3A_18 : memref<8192xi32, #tpu.memory_space<hbm>>) dst(%arg6 : memref<8192xi32, #tpu.memory_space<vmem>>)
      tpu.yield
    }) : () -> ()
    %mul3A_3 = arith.constant 8192 : i32
    %mul3A_4 = arith.muli %add3A, %mul3A_3 : i32
    "tpu.region"() ({
      %run_scoped3A = tpu.sem_alloc : memref<!tpu.dma_semaphore, #tpu.memory_space<semaphore_mem>>
      %dma_start3A = tpu.memref_slice %arg3[%mul3A_4] : memref<262144xf32, #tpu.memory_space<hbm>> -> memref<8192xf32, #tpu.memory_space<hbm>>
      %dma_start3A_17 = tpu.memref_slice %arg3[%mul3A_4] : memref<262144xf32, #tpu.memory_space<hbm>> -> memref<8192xf32, #tpu.memory_space<hbm>>
      tpu.enqueue_dma source(%dma_start3A_17 : memref<8192xf32, #tpu.memory_space<hbm>>) target(%arg7 : memref<8192xf32, #tpu.memory_space<vmem>>) target_semaphore(%run_scoped3A : memref<!tpu.dma_semaphore, #tpu.memory_space<semaphore_mem>>)
      %dma_wait3A = tpu.memref_slice %arg3[%mul3A_4] : memref<262144xf32, #tpu.memory_space<hbm>> -> memref<8192xf32, #tpu.memory_space<hbm>>
      %dma_wait3A_18 = tpu.memref_slice %arg3[%mul3A_4] : memref<262144xf32, #tpu.memory_space<hbm>> -> memref<8192xf32, #tpu.memory_space<hbm>>
      tpu.wait_dma2 semaphore(%run_scoped3A : memref<!tpu.dma_semaphore, #tpu.memory_space<semaphore_mem>>) src(%dma_wait3A_18 : memref<8192xf32, #tpu.memory_space<hbm>>) dst(%arg7 : memref<8192xf32, #tpu.memory_space<vmem>>)
      tpu.yield
    }) : () -> ()
    "tpu.region"() ({
      %run_scoped3A = tpu.sem_alloc : memref<!tpu.dma_semaphore, #tpu.memory_space<semaphore_mem>>
      tpu.enqueue_dma source(%arg4 : memref<16384xf32, #tpu.memory_space<hbm>>) target(%arg8 : memref<16384xf32, #tpu.memory_space<vmem>>) target_semaphore(%run_scoped3A : memref<!tpu.dma_semaphore, #tpu.memory_space<semaphore_mem>>)
      tpu.wait_dma2 semaphore(%run_scoped3A : memref<!tpu.dma_semaphore, #tpu.memory_space<semaphore_mem>>) src(%arg4 : memref<16384xf32, #tpu.memory_space<hbm>>) dst(%arg8 : memref<16384xf32, #tpu.memory_space<vmem>>)
      tpu.yield
    }) : () -> ()
    %iota3A = tpu.iota {dimensions = array<i32: 0>} : vector<16xi32>
    %mul3A_5 = arith.constant 256 : i32
    %mul3A_6 = vector.broadcast %mul3A_5 : i32 to vector<16xi32>
    %mul3A_7 = arith.muli %iota3A, %mul3A_6 : vector<16xi32>
    %scan3A = arith.constant 0 : i32
    %scan3A_8 = arith.constant 0 : i32
    %scan3A_9 = arith.constant 128 : i32
    %scan3A_10 = arith.addi %scan3A_8, %scan3A_9 : i32
    %scan3A_11 = arith.constant 1 : i32
    scf.for %scan3A_17 = %scan3A_8 to %scan3A_10 step %scan3A_11  : i32 {
      %mul3A_18 = arith.constant 64 : i32
      %mul3A_19 = arith.muli %scan3A_17, %mul3A_18 : i32
      %add3A_20 = arith.constant 0 : i32
      %add3A_21 = arith.addi %mul3A_19, %add3A_20 : i32
      %get3A = arith.index_cast %add3A_21 : i32 to index
      %get3A_22 = tpu.vector_load %arg6[%get3A] {strides = array<i32>} : memref<8192xi32, #tpu.memory_space<vmem>>, vector<16xi32>,
      %add3A_23 = arith.addi %get3A_22, %mul3A_7 : vector<16xi32>
      %add3A_24 = arith.constant 0 : i32
      %add3A_25 = vector.broadcast %add3A_24 : i32 to vector<16xi32>
      %add3A_26 = arith.addi %add3A_23, %add3A_25 : vector<16xi32>
      %get3A_27 = arith.index_cast %add3A_21 : i32 to index
      %get3A_28 = tpu.vector_load %arg7[%get3A_27] {strides = array<i32>} : memref<8192xf32, #tpu.memory_space<vmem>>, vector<16xf32>,
      tpu.vector_store_idx %arg8[%add3A_26], %get3A_28 {add = true} : memref<16384xf32, #tpu.memory_space<vmem>>[vector<16xi32>], vector<16xf32>,
      %mul3A_29 = arith.constant 64 : i32
      %mul3A_30 = arith.muli %scan3A_17, %mul3A_29 : i32
      %add3A_31 = arith.constant 16 : i32
      %add3A_32 = arith.addi %mul3A_30, %add3A_31 : i32
      %get3A_33 = arith.index_cast %add3A_32 : i32 to index
      %get3A_34 = tpu.vector_load %arg6[%get3A_33] {strides = array<i32>} : memref<8192xi32, #tpu.memory_space<vmem>>, vector<16xi32>,
      %add3A_35 = arith.addi %get3A_34, %mul3A_7 : vector<16xi32>
      %add3A_36 = arith.constant 4096 : i32
      %add3A_37 = vector.broadcast %add3A_36 : i32 to vector<16xi32>
      %add3A_38 = arith.addi %add3A_35, %add3A_37 : vector<16xi32>
      %get3A_39 = arith.index_cast %add3A_32 : i32 to index
      %get3A_40 = tpu.vector_load %arg7[%get3A_39] {strides = array<i32>} : memref<8192xf32, #tpu.memory_space<vmem>>, vector<16xf32>,
      tpu.vector_store_idx %arg8[%add3A_38], %get3A_40 {add = true} : memref<16384xf32, #tpu.memory_space<vmem>>[vector<16xi32>], vector<16xf32>,
      %mul3A_41 = arith.constant 64 : i32
      %mul3A_42 = arith.muli %scan3A_17, %mul3A_41 : i32
      %add3A_43 = arith.constant 32 : i32
      %add3A_44 = arith.addi %mul3A_42, %add3A_43 : i32
      %get3A_45 = arith.index_cast %add3A_44 : i32 to index
      %get3A_46 = tpu.vector_load %arg6[%get3A_45] {strides = array<i32>} : memref<8192xi32, #tpu.memory_space<vmem>>, vector<16xi32>,
      %add3A_47 = arith.addi %get3A_46, %mul3A_7 : vector<16xi32>
      %add3A_48 = arith.constant 8192 : i32
      %add3A_49 = vector.broadcast %add3A_48 : i32 to vector<16xi32>
      %add3A_50 = arith.addi %add3A_47, %add3A_49 : vector<16xi32>
      %get3A_51 = arith.index_cast %add3A_44 : i32 to index
      %get3A_52 = tpu.vector_load %arg7[%get3A_51] {strides = array<i32>} : memref<8192xf32, #tpu.memory_space<vmem>>, vector<16xf32>,
      tpu.vector_store_idx %arg8[%add3A_50], %get3A_52 {add = true} : memref<16384xf32, #tpu.memory_space<vmem>>[vector<16xi32>], vector<16xf32>,
      %mul3A_53 = arith.constant 64 : i32
      %mul3A_54 = arith.muli %scan3A_17, %mul3A_53 : i32
      %add3A_55 = arith.constant 48 : i32
      %add3A_56 = arith.addi %mul3A_54, %add3A_55 : i32
      %get3A_57 = arith.index_cast %add3A_56 : i32 to index
      %get3A_58 = tpu.vector_load %arg6[%get3A_57] {strides = array<i32>} : memref<8192xi32, #tpu.memory_space<vmem>>, vector<16xi32>,
      %add3A_59 = arith.addi %get3A_58, %mul3A_7 : vector<16xi32>
      %add3A_60 = arith.constant 12288 : i32
      %add3A_61 = vector.broadcast %add3A_60 : i32 to vector<16xi32>
      %add3A_62 = arith.addi %add3A_59, %add3A_61 : vector<16xi32>
      %get3A_63 = arith.index_cast %add3A_56 : i32 to index
      %get3A_64 = tpu.vector_load %arg7[%get3A_63] {strides = array<i32>} : memref<8192xf32, #tpu.memory_space<vmem>>, vector<16xf32>,
      tpu.vector_store_idx %arg8[%add3A_62], %get3A_64 {add = true} : memref<16384xf32, #tpu.memory_space<vmem>>[vector<16xi32>], vector<16xf32>,
    }
    %scan3A_12 = arith.constant 128 : i32
    %mul3A_13 = arith.constant 64 : i32
    %mul3A_14 = arith.muli %add3A, %mul3A_13 : i32
    %mul3A_15 = arith.constant 256 : i32
    %mul3A_16 = arith.muli %mul3A_14, %mul3A_15 : i32
    "tpu.region"() ({
      %run_scoped3A = tpu.sem_alloc : memref<!tpu.dma_semaphore, #tpu.memory_space<semaphore_mem>>
      %dma_start3A = tpu.memref_slice %arg5[%mul3A_16] : memref<524288xf32, #tpu.memory_space<hbm>> -> memref<16384xf32, #tpu.memory_space<hbm>>
      %dma_start3A_17 = tpu.memref_slice %arg5[%mul3A_16] : memref<524288xf32, #tpu.memory_space<hbm>> -> memref<16384xf32, #tpu.memory_space<hbm>>
      tpu.enqueue_dma source(%arg8 : memref<16384xf32, #tpu.memory_space<vmem>>) target(%dma_start3A_17 : memref<16384xf32, #tpu.memory_space<hbm>>) target_semaphore(%run_scoped3A : memref<!tpu.dma_semaphore, #tpu.memory_space<semaphore_mem>>)
      %dma_wait3A = tpu.memref_slice %arg5[%mul3A_16] : memref<524288xf32, #tpu.memory_space<hbm>> -> memref<16384xf32, #tpu.memory_space<hbm>>
      %dma_wait3A_18 = tpu.memref_slice %arg5[%mul3A_16] : memref<524288xf32, #tpu.memory_space<hbm>> -> memref<16384xf32, #tpu.memory_space<hbm>>
      tpu.wait_dma2 semaphore(%run_scoped3A : memref<!tpu.dma_semaphore, #tpu.memory_space<semaphore_mem>>) src(%arg8 : memref<16384xf32, #tpu.memory_space<vmem>>) dst(%dma_wait3A_18 : memref<16384xf32, #tpu.memory_space<hbm>>)
      tpu.yield
    }) : () -> ()
    return
  }
}

module attributes {stable_mosaic.version = 14 : i64} {
  func.func @_wsim_body(%arg0: i32, %arg1: memref<1x128x512xf32, #tpu.memory_space<vmem>>, %arg2: memref<1024x512xf32, #tpu.memory_space<vmem>>, %arg3: memref<128x1024xf32, #tpu.memory_space<vmem>>) attributes {dimension_semantics = [#tpu.dimension_semantics<arbitrary>], iteration_bounds = array<i64: 16>, scalar_prefetch = 0 : i64, scratch_operands = 0 : i64, tpu.core_type = #tpu.core_type<tc>, window_params = [{transform_indices = @transform_0, window_bounds = array<i64: 1, 128, 512>}, {transform_indices = @transform_1, window_bounds = array<i64: 1024, 512>}, {transform_indices = @transform_2, window_bounds = array<i64: 128, 1024>}]} {
    %get3A = arith.constant 0 : index
    %get3A_0 = arith.constant 0 : index
    %get3A_1 = arith.constant 0 : index
    %get3A_2 = vector.load %arg1[%get3A, %get3A_0, %get3A_1] : memref<1x128x512xf32, #tpu.memory_space<vmem>>, vector<1x128x512xf32>
    %get3A_3 = vector.shape_cast %get3A_2 : vector<1x128x512xf32> to vector<128x512xf32>
    %get3A_4 = arith.constant 0 : index
    %get3A_5 = arith.constant 0 : index
    %get3A_6 = vector.load %arg2[%get3A_4, %get3A_5] : memref<1024x512xf32, #tpu.memory_space<vmem>>, vector<1024x512xf32>
    %dot_general3A = arith.constant dense<0.000000e+00> : vector<128x1024xf32>
    %dot_general3A_7 = tpu.matmul %get3A_3, %get3A_6, %dot_general3A {dimension_numbers = #tpu.dot_dimension_numbers<[1], [1], [0], [0], [0, 0, 1, 0], [], []>, transpose_lhs_hint = false} : vector<128x512xf32>, vector<1024x512xf32>, vector<128x1024xf32> -> vector<128x1024xf32>
    %swap3A = arith.constant 0 : index
    %swap3A_8 = arith.constant 0 : index
    %swap3A_9 = vector.load %arg3[%swap3A, %swap3A_8] : memref<128x1024xf32, #tpu.memory_space<vmem>>, vector<128x1024xf32>
    tpu.vector_store %arg3[%swap3A, %swap3A_8], %dot_general3A_7 {strides = array<i32>} : memref<128x1024xf32, #tpu.memory_space<vmem>>, vector<128x1024xf32>,
    return
  }
  func.func @transform_0(%arg0: i32) -> (i32, i32, i32) {
    %c0_i32 = arith.constant 0 : i32
    %c0_i32_0 = arith.constant 0 : i32
    %c0_i32_1 = arith.constant 0 : i32
    return %arg0, %c0_i32, %c0_i32_0 : i32, i32, i32
  }
  func.func @transform_1(%arg0: i32) -> (i32, i32) {
    %c0_i32 = arith.constant 0 : i32
    %c0_i32_0 = arith.constant 0 : i32
    return %c0_i32, %arg0 : i32, i32
  }
  func.func @transform_2(%arg0: i32) -> (i32, i32) {
    %c0_i32 = arith.constant 0 : i32
    %c0_i32_0 = arith.constant 0 : i32
    return %arg0, %c0_i32 : i32, i32
  }
}

module attributes {stable_mosaic.version = 14 : i64} {
  func.func @_route_body(%arg0: i32, %arg1: memref<512x1024xf32, #tpu.memory_space<vmem>>, %arg2: memref<2048x1024xf32, #tpu.memory_space<vmem>>, %arg3: memref<64x128xf32, #tpu.memory_space<vmem>>, %arg4: memref<8x16x512xf32, #tpu.memory_space<vmem>>, %arg5: memref<8x16x512xi32, #tpu.memory_space<vmem>>) attributes {dimension_semantics = [#tpu.dimension_semantics<arbitrary>], iteration_bounds = array<i64: 4>, scalar_prefetch = 0 : i64, scratch_operands = 0 : i64, tpu.core_type = #tpu.core_type<tc>, window_params = [{transform_indices = @transform_0, window_bounds = array<i64: 512, 1024>}, {pipeline_mode = #tpu.pipeline_mode<synchronous>, transform_indices = @transform_1, window_bounds = array<i64: 2048, 1024>}, {pipeline_mode = #tpu.pipeline_mode<synchronous>, transform_indices = @transform_2, window_bounds = array<i64: 64, 128>}, {transform_indices = @transform_3, window_bounds = array<i64: 8, 16, 512>}, {transform_indices = @transform_4, window_bounds = array<i64: 8, 16, 512>}]} {
    %get3A = arith.constant 0 : index
    %get3A_0 = arith.constant 0 : index
    %get3A_1 = vector.load %arg2[%get3A, %get3A_0] : memref<2048x1024xf32, #tpu.memory_space<vmem>>, vector<2048x1024xf32>
    %get3A_2 = arith.constant 0 : index
    %get3A_3 = arith.constant 0 : index
    %get3A_4 = vector.load %arg1[%get3A_2, %get3A_3] : memref<512x1024xf32, #tpu.memory_space<vmem>>, vector<512x1024xf32>
    %dot_general3A = arith.constant dense<0.000000e+00> : vector<2048x512xf32>
    %dot_general3A_5 = tpu.matmul %get3A_1, %get3A_4, %dot_general3A {dimension_numbers = #tpu.dot_dimension_numbers<[1], [1], [0], [0], [0, 0, 1, 0], [], []>, transpose_lhs_hint = false} : vector<2048x1024xf32>, vector<512x1024xf32>, vector<2048x512xf32> -> vector<2048x512xf32>
    %reshape3A = vector.shape_cast %dot_general3A_5 : vector<2048x512xf32> to vector<16x128x512xf32>
    %iota3A = tpu.iota {dimensions = array<i32: 1>} : vector<16x128x512xi32>
    %convert_element_type3A = arith.sitofp %iota3A : vector<16x128x512xi32> to vector<16x128x512xf32>
    %reduce_max3A = arith.constant dense<0xFF800000> : vector<16x512xf32>
    %reduce_max3A_6 = vector.multi_reduction <maximumf>, %reshape3A, %reduce_max3A [1] : vector<16x128x512xf32> to vector<16x512xf32>
    %broadcast_in_dim3A = vector.shape_cast %reduce_max3A_6 : vector<16x512xf32> to vector<16x1x512xf32>
    %eq3A = vector.broadcast %broadcast_in_dim3A : vector<16x1x512xf32> to vector<16x128x512xf32>
    %eq3A_7 = arith.cmpf oeq, %reshape3A, %eq3A : vector<16x128x512xf32>
    %jit3A = arith.constant 1.280000e+02 : f32
    %broadcast_in_dim3A_8 = vector.broadcast %jit3A : f32 to vector<16x128x512xf32>
    %select_n3A = arith.select %eq3A_7, %convert_element_type3A, %broadcast_in_dim3A_8 : vector<16x128x512xi1>, vector<16x128x512xf32>
    %reduce_min3A = arith.constant dense<0x7F800000> : vector<16x512xf32>
    %reduce_min3A_9 = vector.multi_reduction <minimumf>, %select_n3A, %reduce_min3A [1] : vector<16x128x512xf32> to vector<16x512xf32>
    %broadcast_in_dim3A_10 = vector.shape_cast %reduce_min3A_9 : vector<16x512xf32> to vector<16x1x512xf32>
    %eq3A_11 = vector.broadcast %broadcast_in_dim3A_10 : vector<16x1x512xf32> to vector<16x128x512xf32>
    %eq3A_12 = arith.cmpf oeq, %convert_element_type3A, %eq3A_11 : vector<16x128x512xf32>
    %jit3A_13 = arith.constant 0xFF800000 : f32
    %broadcast_in_dim3A_14 = vector.broadcast %jit3A_13 : f32 to vector<16x128x512xf32>
    %select_n3A_15 = arith.select %eq3A_12, %broadcast_in_dim3A_14, %reshape3A : vector<16x128x512xi1>, vector<16x128x512xf32>
    %reduce_max3A_16 = arith.constant dense<0xFF800000> : vector<16x512xf32>
    %reduce_max3A_17 = vector.multi_reduction <maximumf>, %select_n3A_15, %reduce_max3A_16 [1] : vector<16x128x512xf32> to vector<16x512xf32>
    %broadcast_in_dim3A_18 = vector.shape_cast %reduce_max3A_17 : vector<16x512xf32> to vector<16x1x512xf32>
    %eq3A_19 = vector.broadcast %broadcast_in_dim3A_18 : vector<16x1x512xf32> to vector<16x128x512xf32>
    %eq3A_20 = arith.cmpf oeq, %select_n3A_15, %eq3A_19 : vector<16x128x512xf32>
    %jit3A_21 = arith.constant 1.280000e+02 : f32
    %broadcast_in_dim3A_22 = vector.broadcast %jit3A_21 : f32 to vector<16x128x512xf32>
    %select_n3A_23 = arith.select %eq3A_20, %convert_element_type3A, %broadcast_in_dim3A_22 : vector<16x128x512xi1>, vector<16x128x512xf32>
    %reduce_min3A_24 = arith.constant dense<0x7F800000> : vector<16x512xf32>
    %reduce_min3A_25 = vector.multi_reduction <minimumf>, %select_n3A_23, %reduce_min3A_24 [1] : vector<16x128x512xf32> to vector<16x512xf32>
    %broadcast_in_dim3A_26 = vector.shape_cast %reduce_min3A_25 : vector<16x512xf32> to vector<16x1x512xf32>
    %eq3A_27 = vector.broadcast %broadcast_in_dim3A_26 : vector<16x1x512xf32> to vector<16x128x512xf32>
    %eq3A_28 = arith.cmpf oeq, %convert_element_type3A, %eq3A_27 : vector<16x128x512xf32>
    %jit3A_29 = arith.constant 0xFF800000 : f32
    %broadcast_in_dim3A_30 = vector.broadcast %jit3A_29 : f32 to vector<16x128x512xf32>
    %select_n3A_31 = arith.select %eq3A_28, %broadcast_in_dim3A_30, %select_n3A_15 : vector<16x128x512xi1>, vector<16x128x512xf32>
    %reduce_max3A_32 = arith.constant dense<0xFF800000> : vector<16x512xf32>
    %reduce_max3A_33 = vector.multi_reduction <maximumf>, %select_n3A_31, %reduce_max3A_32 [1] : vector<16x128x512xf32> to vector<16x512xf32>
    %broadcast_in_dim3A_34 = vector.shape_cast %reduce_max3A_33 : vector<16x512xf32> to vector<16x1x512xf32>
    %eq3A_35 = vector.broadcast %broadcast_in_dim3A_34 : vector<16x1x512xf32> to vector<16x128x512xf32>
    %eq3A_36 = arith.cmpf oeq, %select_n3A_31, %eq3A_35 : vector<16x128x512xf32>
    %jit3A_37 = arith.constant 1.280000e+02 : f32
    %broadcast_in_dim3A_38 = vector.broadcast %jit3A_37 : f32 to vector<16x128x512xf32>
    %select_n3A_39 = arith.select %eq3A_36, %convert_element_type3A, %broadcast_in_dim3A_38 : vector<16x128x512xi1>, vector<16x128x512xf32>
    %reduce_min3A_40 = arith.constant dense<0x7F800000> : vector<16x512xf32>
    %reduce_min3A_41 = vector.multi_reduction <minimumf>, %select_n3A_39, %reduce_min3A_40 [1] : vector<16x128x512xf32> to vector<16x512xf32>
    %broadcast_in_dim3A_42 = vector.shape_cast %reduce_min3A_41 : vector<16x512xf32> to vector<16x1x512xf32>
    %eq3A_43 = vector.broadcast %broadcast_in_dim3A_42 : vector<16x1x512xf32> to vector<16x128x512xf32>
    %eq3A_44 = arith.cmpf oeq, %convert_element_type3A, %eq3A_43 : vector<16x128x512xf32>
    %jit3A_45 = arith.constant 0xFF800000 : f32
    %broadcast_in_dim3A_46 = vector.broadcast %jit3A_45 : f32 to vector<16x128x512xf32>
    %select_n3A_47 = arith.select %eq3A_44, %broadcast_in_dim3A_46, %select_n3A_31 : vector<16x128x512xi1>, vector<16x128x512xf32>
    %reduce_max3A_48 = arith.constant dense<0xFF800000> : vector<16x512xf32>
    %reduce_max3A_49 = vector.multi_reduction <maximumf>, %select_n3A_47, %reduce_max3A_48 [1] : vector<16x128x512xf32> to vector<16x512xf32>
    %broadcast_in_dim3A_50 = vector.shape_cast %reduce_max3A_49 : vector<16x512xf32> to vector<16x1x512xf32>
    %eq3A_51 = vector.broadcast %broadcast_in_dim3A_50 : vector<16x1x512xf32> to vector<16x128x512xf32>
    %eq3A_52 = arith.cmpf oeq, %select_n3A_47, %eq3A_51 : vector<16x128x512xf32>
    %jit3A_53 = arith.constant 1.280000e+02 : f32
    %broadcast_in_dim3A_54 = vector.broadcast %jit3A_53 : f32 to vector<16x128x512xf32>
    %select_n3A_55 = arith.select %eq3A_52, %convert_element_type3A, %broadcast_in_dim3A_54 : vector<16x128x512xi1>, vector<16x128x512xf32>
    %reduce_min3A_56 = arith.constant dense<0x7F800000> : vector<16x512xf32>
    %reduce_min3A_57 = vector.multi_reduction <minimumf>, %select_n3A_55, %reduce_min3A_56 [1] : vector<16x128x512xf32> to vector<16x512xf32>
    %broadcast_in_dim3A_58 = vector.shape_cast %reduce_min3A_57 : vector<16x512xf32> to vector<16x1x512xf32>
    %eq3A_59 = vector.broadcast %broadcast_in_dim3A_58 : vector<16x1x512xf32> to vector<16x128x512xf32>
    %eq3A_60 = arith.cmpf oeq, %convert_element_type3A, %eq3A_59 : vector<16x128x512xf32>
    %jit3A_61 = arith.constant 0xFF800000 : f32
    %broadcast_in_dim3A_62 = vector.broadcast %jit3A_61 : f32 to vector<16x128x512xf32>
    %select_n3A_63 = arith.select %eq3A_60, %broadcast_in_dim3A_62, %select_n3A_47 : vector<16x128x512xi1>, vector<16x128x512xf32>
    %reduce_max3A_64 = arith.constant dense<0xFF800000> : vector<16x512xf32>
    %reduce_max3A_65 = vector.multi_reduction <maximumf>, %select_n3A_63, %reduce_max3A_64 [1] : vector<16x128x512xf32> to vector<16x512xf32>
    %broadcast_in_dim3A_66 = vector.shape_cast %reduce_max3A_65 : vector<16x512xf32> to vector<16x1x512xf32>
    %eq3A_67 = vector.broadcast %broadcast_in_dim3A_66 : vector<16x1x512xf32> to vector<16x128x512xf32>
    %eq3A_68 = arith.cmpf oeq, %select_n3A_63, %eq3A_67 : vector<16x128x512xf32>
    %jit3A_69 = arith.constant 1.280000e+02 : f32
    %broadcast_in_dim3A_70 = vector.broadcast %jit3A_69 : f32 to vector<16x128x512xf32>
    %select_n3A_71 = arith.select %eq3A_68, %convert_element_type3A, %broadcast_in_dim3A_70 : vector<16x128x512xi1>, vector<16x128x512xf32>
    %reduce_min3A_72 = arith.constant dense<0x7F800000> : vector<16x512xf32>
    %reduce_min3A_73 = vector.multi_reduction <minimumf>, %select_n3A_71, %reduce_min3A_72 [1] : vector<16x128x512xf32> to vector<16x512xf32>
    %broadcast_in_dim3A_74 = vector.shape_cast %reduce_min3A_73 : vector<16x512xf32> to vector<16x1x512xf32>
    %eq3A_75 = vector.broadcast %broadcast_in_dim3A_74 : vector<16x1x512xf32> to vector<16x128x512xf32>
    %eq3A_76 = arith.cmpf oeq, %convert_element_type3A, %eq3A_75 : vector<16x128x512xf32>
    %jit3A_77 = arith.constant 0xFF800000 : f32
    %broadcast_in_dim3A_78 = vector.broadcast %jit3A_77 : f32 to vector<16x128x512xf32>
    %select_n3A_79 = arith.select %eq3A_76, %broadcast_in_dim3A_78, %select_n3A_63 : vector<16x128x512xi1>, vector<16x128x512xf32>
    %reduce_max3A_80 = arith.constant dense<0xFF800000> : vector<16x512xf32>
    %reduce_max3A_81 = vector.multi_reduction <maximumf>, %select_n3A_79, %reduce_max3A_80 [1] : vector<16x128x512xf32> to vector<16x512xf32>
    %broadcast_in_dim3A_82 = vector.shape_cast %reduce_max3A_81 : vector<16x512xf32> to vector<16x1x512xf32>
    %eq3A_83 = vector.broadcast %broadcast_in_dim3A_82 : vector<16x1x512xf32> to vector<16x128x512xf32>
    %eq3A_84 = arith.cmpf oeq, %select_n3A_79, %eq3A_83 : vector<16x128x512xf32>
    %jit3A_85 = arith.constant 1.280000e+02 : f32
    %broadcast_in_dim3A_86 = vector.broadcast %jit3A_85 : f32 to vector<16x128x512xf32>
    %select_n3A_87 = arith.select %eq3A_84, %convert_element_type3A, %broadcast_in_dim3A_86 : vector<16x128x512xi1>, vector<16x128x512xf32>
    %reduce_min3A_88 = arith.constant dense<0x7F800000> : vector<16x512xf32>
    %reduce_min3A_89 = vector.multi_reduction <minimumf>, %select_n3A_87, %reduce_min3A_88 [1] : vector<16x128x512xf32> to vector<16x512xf32>
    %broadcast_in_dim3A_90 = vector.shape_cast %reduce_min3A_89 : vector<16x512xf32> to vector<16x1x512xf32>
    %eq3A_91 = vector.broadcast %broadcast_in_dim3A_90 : vector<16x1x512xf32> to vector<16x128x512xf32>
    %eq3A_92 = arith.cmpf oeq, %convert_element_type3A, %eq3A_91 : vector<16x128x512xf32>
    %jit3A_93 = arith.constant 0xFF800000 : f32
    %broadcast_in_dim3A_94 = vector.broadcast %jit3A_93 : f32 to vector<16x128x512xf32>
    %select_n3A_95 = arith.select %eq3A_92, %broadcast_in_dim3A_94, %select_n3A_79 : vector<16x128x512xi1>, vector<16x128x512xf32>
    %reduce_max3A_96 = arith.constant dense<0xFF800000> : vector<16x512xf32>
    %reduce_max3A_97 = vector.multi_reduction <maximumf>, %select_n3A_95, %reduce_max3A_96 [1] : vector<16x128x512xf32> to vector<16x512xf32>
    %broadcast_in_dim3A_98 = vector.shape_cast %reduce_max3A_97 : vector<16x512xf32> to vector<16x1x512xf32>
    %eq3A_99 = vector.broadcast %broadcast_in_dim3A_98 : vector<16x1x512xf32> to vector<16x128x512xf32>
    %eq3A_100 = arith.cmpf oeq, %select_n3A_95, %eq3A_99 : vector<16x128x512xf32>
    %jit3A_101 = arith.constant 1.280000e+02 : f32
    %broadcast_in_dim3A_102 = vector.broadcast %jit3A_101 : f32 to vector<16x128x512xf32>
    %select_n3A_103 = arith.select %eq3A_100, %convert_element_type3A, %broadcast_in_dim3A_102 : vector<16x128x512xi1>, vector<16x128x512xf32>
    %reduce_min3A_104 = arith.constant dense<0x7F800000> : vector<16x512xf32>
    %reduce_min3A_105 = vector.multi_reduction <minimumf>, %select_n3A_103, %reduce_min3A_104 [1] : vector<16x128x512xf32> to vector<16x512xf32>
    %broadcast_in_dim3A_106 = vector.shape_cast %reduce_min3A_105 : vector<16x512xf32> to vector<16x1x512xf32>
    %eq3A_107 = vector.broadcast %broadcast_in_dim3A_106 : vector<16x1x512xf32> to vector<16x128x512xf32>
    %eq3A_108 = arith.cmpf oeq, %convert_element_type3A, %eq3A_107 : vector<16x128x512xf32>
    %jit3A_109 = arith.constant 0xFF800000 : f32
    %broadcast_in_dim3A_110 = vector.broadcast %jit3A_109 : f32 to vector<16x128x512xf32>
    %select_n3A_111 = arith.select %eq3A_108, %broadcast_in_dim3A_110, %select_n3A_95 : vector<16x128x512xi1>, vector<16x128x512xf32>
    %reduce_max3A_112 = arith.constant dense<0xFF800000> : vector<16x512xf32>
    %reduce_max3A_113 = vector.multi_reduction <maximumf>, %select_n3A_111, %reduce_max3A_112 [1] : vector<16x128x512xf32> to vector<16x512xf32>
    %broadcast_in_dim3A_114 = vector.shape_cast %reduce_max3A_113 : vector<16x512xf32> to vector<16x1x512xf32>
    %eq3A_115 = vector.broadcast %broadcast_in_dim3A_114 : vector<16x1x512xf32> to vector<16x128x512xf32>
    %eq3A_116 = arith.cmpf oeq, %select_n3A_111, %eq3A_115 : vector<16x128x512xf32>
    %jit3A_117 = arith.constant 1.280000e+02 : f32
    %broadcast_in_dim3A_118 = vector.broadcast %jit3A_117 : f32 to vector<16x128x512xf32>
    %select_n3A_119 = arith.select %eq3A_116, %convert_element_type3A, %broadcast_in_dim3A_118 : vector<16x128x512xi1>, vector<16x128x512xf32>
    %reduce_min3A_120 = arith.constant dense<0x7F800000> : vector<16x512xf32>
    %reduce_min3A_121 = vector.multi_reduction <minimumf>, %select_n3A_119, %reduce_min3A_120 [1] : vector<16x128x512xf32> to vector<16x512xf32>
    %broadcast_in_dim3A_122 = vector.shape_cast %reduce_min3A_121 : vector<16x512xf32> to vector<16x1x512xf32>
    %eq3A_123 = vector.broadcast %broadcast_in_dim3A_122 : vector<16x1x512xf32> to vector<16x128x512xf32>
    %eq3A_124 = arith.cmpf oeq, %convert_element_type3A, %eq3A_123 : vector<16x128x512xf32>
    %jit3A_125 = arith.constant 0xFF800000 : f32
    %broadcast_in_dim3A_126 = vector.broadcast %jit3A_125 : f32 to vector<16x128x512xf32>
    %select_n3A_127 = arith.select %eq3A_124, %broadcast_in_dim3A_126, %select_n3A_111 : vector<16x128x512xi1>, vector<16x128x512xf32>
    %reduce_max3A_128 = arith.constant dense<0xFF800000> : vector<16x512xf32>
    %reduce_max3A_129 = vector.multi_reduction <maximumf>, %select_n3A_127, %reduce_max3A_128 [1] : vector<16x128x512xf32> to vector<16x512xf32>
    %broadcast_in_dim3A_130 = vector.shape_cast %reduce_max3A_129 : vector<16x512xf32> to vector<16x1x512xf32>
    %eq3A_131 = vector.broadcast %broadcast_in_dim3A_130 : vector<16x1x512xf32> to vector<16x128x512xf32>
    %eq3A_132 = arith.cmpf oeq, %select_n3A_127, %eq3A_131 : vector<16x128x512xf32>
    %jit3A_133 = arith.constant 1.280000e+02 : f32
    %broadcast_in_dim3A_134 = vector.broadcast %jit3A_133 : f32 to vector<16x128x512xf32>
    %select_n3A_135 = arith.select %eq3A_132, %convert_element_type3A, %broadcast_in_dim3A_134 : vector<16x128x512xi1>, vector<16x128x512xf32>
    %reduce_min3A_136 = arith.constant dense<0x7F800000> : vector<16x512xf32>
    %reduce_min3A_137 = vector.multi_reduction <minimumf>, %select_n3A_135, %reduce_min3A_136 [1] : vector<16x128x512xf32> to vector<16x512xf32>
    %broadcast_in_dim3A_138 = vector.shape_cast %reduce_min3A_137 : vector<16x512xf32> to vector<16x1x512xf32>
    %eq3A_139 = vector.broadcast %broadcast_in_dim3A_138 : vector<16x1x512xf32> to vector<16x128x512xf32>
    %eq3A_140 = arith.cmpf oeq, %convert_element_type3A, %eq3A_139 : vector<16x128x512xf32>
    %jit3A_141 = arith.constant 0xFF800000 : f32
    %broadcast_in_dim3A_142 = vector.broadcast %jit3A_141 : f32 to vector<16x128x512xf32>
    %select_n3A_143 = arith.select %eq3A_140, %broadcast_in_dim3A_142, %select_n3A_127 : vector<16x128x512xi1>, vector<16x128x512xf32>
    %reduce_max3A_144 = arith.constant dense<0xFF800000> : vector<16x512xf32>
    %reduce_max3A_145 = vector.multi_reduction <maximumf>, %select_n3A_143, %reduce_max3A_144 [1] : vector<16x128x512xf32> to vector<16x512xf32>
    %broadcast_in_dim3A_146 = vector.shape_cast %reduce_max3A_145 : vector<16x512xf32> to vector<16x1x512xf32>
    %eq3A_147 = vector.broadcast %broadcast_in_dim3A_146 : vector<16x1x512xf32> to vector<16x128x512xf32>
    %eq3A_148 = arith.cmpf oeq, %select_n3A_143, %eq3A_147 : vector<16x128x512xf32>
    %jit3A_149 = arith.constant 1.280000e+02 : f32
    %broadcast_in_dim3A_150 = vector.broadcast %jit3A_149 : f32 to vector<16x128x512xf32>
    %select_n3A_151 = arith.select %eq3A_148, %convert_element_type3A, %broadcast_in_dim3A_150 : vector<16x128x512xi1>, vector<16x128x512xf32>
    %reduce_min3A_152 = arith.constant dense<0x7F800000> : vector<16x512xf32>
    %reduce_min3A_153 = vector.multi_reduction <minimumf>, %select_n3A_151, %reduce_min3A_152 [1] : vector<16x128x512xf32> to vector<16x512xf32>
    %broadcast_in_dim3A_154 = vector.shape_cast %reduce_min3A_153 : vector<16x512xf32> to vector<16x1x512xf32>
    %eq3A_155 = vector.broadcast %broadcast_in_dim3A_154 : vector<16x1x512xf32> to vector<16x128x512xf32>
    %eq3A_156 = arith.cmpf oeq, %convert_element_type3A, %eq3A_155 : vector<16x128x512xf32>
    %jit3A_157 = arith.constant 0xFF800000 : f32
    %broadcast_in_dim3A_158 = vector.broadcast %jit3A_157 : f32 to vector<16x128x512xf32>
    %select_n3A_159 = arith.select %eq3A_156, %broadcast_in_dim3A_158, %select_n3A_143 : vector<16x128x512xi1>, vector<16x128x512xf32>
    %reduce_max3A_160 = arith.constant dense<0xFF800000> : vector<16x512xf32>
    %reduce_max3A_161 = vector.multi_reduction <maximumf>, %select_n3A_159, %reduce_max3A_160 [1] : vector<16x128x512xf32> to vector<16x512xf32>
    %broadcast_in_dim3A_162 = vector.shape_cast %reduce_max3A_161 : vector<16x512xf32> to vector<16x1x512xf32>
    %eq3A_163 = vector.broadcast %broadcast_in_dim3A_162 : vector<16x1x512xf32> to vector<16x128x512xf32>
    %eq3A_164 = arith.cmpf oeq, %select_n3A_159, %eq3A_163 : vector<16x128x512xf32>
    %jit3A_165 = arith.constant 1.280000e+02 : f32
    %broadcast_in_dim3A_166 = vector.broadcast %jit3A_165 : f32 to vector<16x128x512xf32>
    %select_n3A_167 = arith.select %eq3A_164, %convert_element_type3A, %broadcast_in_dim3A_166 : vector<16x128x512xi1>, vector<16x128x512xf32>
    %reduce_min3A_168 = arith.constant dense<0x7F800000> : vector<16x512xf32>
    %reduce_min3A_169 = vector.multi_reduction <minimumf>, %select_n3A_167, %reduce_min3A_168 [1] : vector<16x128x512xf32> to vector<16x512xf32>
    %broadcast_in_dim3A_170 = vector.shape_cast %reduce_min3A_169 : vector<16x512xf32> to vector<16x1x512xf32>
    %eq3A_171 = vector.broadcast %broadcast_in_dim3A_170 : vector<16x1x512xf32> to vector<16x128x512xf32>
    %eq3A_172 = arith.cmpf oeq, %convert_element_type3A, %eq3A_171 : vector<16x128x512xf32>
    %jit3A_173 = arith.constant 0xFF800000 : f32
    %broadcast_in_dim3A_174 = vector.broadcast %jit3A_173 : f32 to vector<16x128x512xf32>
    %select_n3A_175 = arith.select %eq3A_172, %broadcast_in_dim3A_174, %select_n3A_159 : vector<16x128x512xi1>, vector<16x128x512xf32>
    %reduce_max3A_176 = arith.constant dense<0xFF800000> : vector<16x512xf32>
    %reduce_max3A_177 = vector.multi_reduction <maximumf>, %select_n3A_175, %reduce_max3A_176 [1] : vector<16x128x512xf32> to vector<16x512xf32>
    %broadcast_in_dim3A_178 = vector.shape_cast %reduce_max3A_177 : vector<16x512xf32> to vector<16x1x512xf32>
    %eq3A_179 = vector.broadcast %broadcast_in_dim3A_178 : vector<16x1x512xf32> to vector<16x128x512xf32>
    %eq3A_180 = arith.cmpf oeq, %select_n3A_175, %eq3A_179 : vector<16x128x512xf32>
    %jit3A_181 = arith.constant 1.280000e+02 : f32
    %broadcast_in_dim3A_182 = vector.broadcast %jit3A_181 : f32 to vector<16x128x512xf32>
    %select_n3A_183 = arith.select %eq3A_180, %convert_element_type3A, %broadcast_in_dim3A_182 : vector<16x128x512xi1>, vector<16x128x512xf32>
    %reduce_min3A_184 = arith.constant dense<0x7F800000> : vector<16x512xf32>
    %reduce_min3A_185 = vector.multi_reduction <minimumf>, %select_n3A_183, %reduce_min3A_184 [1] : vector<16x128x512xf32> to vector<16x512xf32>
    %broadcast_in_dim3A_186 = vector.shape_cast %reduce_min3A_185 : vector<16x512xf32> to vector<16x1x512xf32>
    %eq3A_187 = vector.broadcast %broadcast_in_dim3A_186 : vector<16x1x512xf32> to vector<16x128x512xf32>
    %eq3A_188 = arith.cmpf oeq, %convert_element_type3A, %eq3A_187 : vector<16x128x512xf32>
    %jit3A_189 = arith.constant 0xFF800000 : f32
    %broadcast_in_dim3A_190 = vector.broadcast %jit3A_189 : f32 to vector<16x128x512xf32>
    %select_n3A_191 = arith.select %eq3A_188, %broadcast_in_dim3A_190, %select_n3A_175 : vector<16x128x512xi1>, vector<16x128x512xf32>
    %reduce_max3A_192 = arith.constant dense<0xFF800000> : vector<16x512xf32>
    %reduce_max3A_193 = vector.multi_reduction <maximumf>, %select_n3A_191, %reduce_max3A_192 [1] : vector<16x128x512xf32> to vector<16x512xf32>
    %broadcast_in_dim3A_194 = vector.shape_cast %reduce_max3A_193 : vector<16x512xf32> to vector<16x1x512xf32>
    %eq3A_195 = vector.broadcast %broadcast_in_dim3A_194 : vector<16x1x512xf32> to vector<16x128x512xf32>
    %eq3A_196 = arith.cmpf oeq, %select_n3A_191, %eq3A_195 : vector<16x128x512xf32>
    %jit3A_197 = arith.constant 1.280000e+02 : f32
    %broadcast_in_dim3A_198 = vector.broadcast %jit3A_197 : f32 to vector<16x128x512xf32>
    %select_n3A_199 = arith.select %eq3A_196, %convert_element_type3A, %broadcast_in_dim3A_198 : vector<16x128x512xi1>, vector<16x128x512xf32>
    %reduce_min3A_200 = arith.constant dense<0x7F800000> : vector<16x512xf32>
    %reduce_min3A_201 = vector.multi_reduction <minimumf>, %select_n3A_199, %reduce_min3A_200 [1] : vector<16x128x512xf32> to vector<16x512xf32>
    %broadcast_in_dim3A_202 = vector.shape_cast %reduce_min3A_201 : vector<16x512xf32> to vector<16x1x512xf32>
    %eq3A_203 = vector.broadcast %broadcast_in_dim3A_202 : vector<16x1x512xf32> to vector<16x128x512xf32>
    %eq3A_204 = arith.cmpf oeq, %convert_element_type3A, %eq3A_203 : vector<16x128x512xf32>
    %jit3A_205 = arith.constant 0xFF800000 : f32
    %broadcast_in_dim3A_206 = vector.broadcast %jit3A_205 : f32 to vector<16x128x512xf32>
    %select_n3A_207 = arith.select %eq3A_204, %broadcast_in_dim3A_206, %select_n3A_191 : vector<16x128x512xi1>, vector<16x128x512xf32>
    %reduce_max3A_208 = arith.constant dense<0xFF800000> : vector<16x512xf32>
    %reduce_max3A_209 = vector.multi_reduction <maximumf>, %select_n3A_207, %reduce_max3A_208 [1] : vector<16x128x512xf32> to vector<16x512xf32>
    %broadcast_in_dim3A_210 = vector.shape_cast %reduce_max3A_209 : vector<16x512xf32> to vector<16x1x512xf32>
    %eq3A_211 = vector.broadcast %broadcast_in_dim3A_210 : vector<16x1x512xf32> to vector<16x128x512xf32>
    %eq3A_212 = arith.cmpf oeq, %select_n3A_207, %eq3A_211 : vector<16x128x512xf32>
    %jit3A_213 = arith.constant 1.280000e+02 : f32
    %broadcast_in_dim3A_214 = vector.broadcast %jit3A_213 : f32 to vector<16x128x512xf32>
    %select_n3A_215 = arith.select %eq3A_212, %convert_element_type3A, %broadcast_in_dim3A_214 : vector<16x128x512xi1>, vector<16x128x512xf32>
    %reduce_min3A_216 = arith.constant dense<0x7F800000> : vector<16x512xf32>
    %reduce_min3A_217 = vector.multi_reduction <minimumf>, %select_n3A_215, %reduce_min3A_216 [1] : vector<16x128x512xf32> to vector<16x512xf32>
    %broadcast_in_dim3A_218 = vector.shape_cast %reduce_min3A_217 : vector<16x512xf32> to vector<16x1x512xf32>
    %eq3A_219 = vector.broadcast %broadcast_in_dim3A_218 : vector<16x1x512xf32> to vector<16x128x512xf32>
    %eq3A_220 = arith.cmpf oeq, %convert_element_type3A, %eq3A_219 : vector<16x128x512xf32>
    %jit3A_221 = arith.constant 0xFF800000 : f32
    %broadcast_in_dim3A_222 = vector.broadcast %jit3A_221 : f32 to vector<16x128x512xf32>
    %select_n3A_223 = arith.select %eq3A_220, %broadcast_in_dim3A_222, %select_n3A_207 : vector<16x128x512xi1>, vector<16x128x512xf32>
    %reduce_max3A_224 = arith.constant dense<0xFF800000> : vector<16x512xf32>
    %reduce_max3A_225 = vector.multi_reduction <maximumf>, %select_n3A_223, %reduce_max3A_224 [1] : vector<16x128x512xf32> to vector<16x512xf32>
    %broadcast_in_dim3A_226 = vector.shape_cast %reduce_max3A_225 : vector<16x512xf32> to vector<16x1x512xf32>
    %eq3A_227 = vector.broadcast %broadcast_in_dim3A_226 : vector<16x1x512xf32> to vector<16x128x512xf32>
    %eq3A_228 = arith.cmpf oeq, %select_n3A_223, %eq3A_227 : vector<16x128x512xf32>
    %jit3A_229 = arith.constant 1.280000e+02 : f32
    %broadcast_in_dim3A_230 = vector.broadcast %jit3A_229 : f32 to vector<16x128x512xf32>
    %select_n3A_231 = arith.select %eq3A_228, %convert_element_type3A, %broadcast_in_dim3A_230 : vector<16x128x512xi1>, vector<16x128x512xf32>
    %reduce_min3A_232 = arith.constant dense<0x7F800000> : vector<16x512xf32>
    %reduce_min3A_233 = vector.multi_reduction <minimumf>, %select_n3A_231, %reduce_min3A_232 [1] : vector<16x128x512xf32> to vector<16x512xf32>
    %broadcast_in_dim3A_234 = vector.shape_cast %reduce_min3A_233 : vector<16x512xf32> to vector<16x1x512xf32>
    %eq3A_235 = vector.broadcast %broadcast_in_dim3A_234 : vector<16x1x512xf32> to vector<16x128x512xf32>
    %eq3A_236 = arith.cmpf oeq, %convert_element_type3A, %eq3A_235 : vector<16x128x512xf32>
    %jit3A_237 = arith.constant 0xFF800000 : f32
    %broadcast_in_dim3A_238 = vector.broadcast %jit3A_237 : f32 to vector<16x128x512xf32>
    %select_n3A_239 = arith.select %eq3A_236, %broadcast_in_dim3A_238, %select_n3A_223 : vector<16x128x512xi1>, vector<16x128x512xf32>
    %reduce_max3A_240 = arith.constant dense<0xFF800000> : vector<16x512xf32>
    %reduce_max3A_241 = vector.multi_reduction <maximumf>, %select_n3A_239, %reduce_max3A_240 [1] : vector<16x128x512xf32> to vector<16x512xf32>
    %broadcast_in_dim3A_242 = vector.shape_cast %reduce_max3A_241 : vector<16x512xf32> to vector<16x1x512xf32>
    %concatenate3A = tpu.concatenate %broadcast_in_dim3A, %broadcast_in_dim3A_18, %broadcast_in_dim3A_34, %broadcast_in_dim3A_50, %broadcast_in_dim3A_66, %broadcast_in_dim3A_82, %broadcast_in_dim3A_98, %broadcast_in_dim3A_114, %broadcast_in_dim3A_130, %broadcast_in_dim3A_146, %broadcast_in_dim3A_162, %broadcast_in_dim3A_178, %broadcast_in_dim3A_194, %broadcast_in_dim3A_210, %broadcast_in_dim3A_226, %broadcast_in_dim3A_242 in 1 : vector<16x1x512xf32>, vector<16x1x512xf32>, vector<16x1x512xf32>, vector<16x1x512xf32>, vector<16x1x512xf32>, vector<16x1x512xf32>, vector<16x1x512xf32>, vector<16x1x512xf32>, vector<16x1x512xf32>, vector<16x1x512xf32>, vector<16x1x512xf32>, vector<16x1x512xf32>, vector<16x1x512xf32>, vector<16x1x512xf32>, vector<16x1x512xf32>, vector<16x1x512xf32> -> vector<16x16x512xf32>
    %slice3A = vector.extract_strided_slice %concatenate3A {offsets = [0, 0, 0], sizes = [8, 16, 512], strides = [1, 1, 1]} : vector<16x16x512xf32> to vector<8x16x512xf32>
    %slice3A_243 = vector.extract_strided_slice %concatenate3A {offsets = [8, 0, 0], sizes = [8, 16, 512], strides = [1, 1, 1]} : vector<16x16x512xf32> to vector<8x16x512xf32>
    %slice3A_244 = vector.extract_strided_slice %slice3A {offsets = [0, 0, 0], sizes = [8, 1, 512], strides = [1, 1, 1]} : vector<8x16x512xf32> to vector<8x1x512xf32>
    %add3A = vector.broadcast %slice3A_244 : vector<8x1x512xf32> to vector<8x16x512xf32>
    %add3A_245 = arith.addf %add3A, %slice3A_243 : vector<8x16x512xf32>
    %slice3A_246 = vector.extract_strided_slice %slice3A {offsets = [0, 1, 0], sizes = [8, 1, 512], strides = [1, 1, 1]} : vector<8x16x512xf32> to vector<8x1x512xf32>
    %slice3A_247 = vector.extract_strided_slice %slice3A_243 {offsets = [0, 0, 0], sizes = [8, 8, 512], strides = [1, 1, 1]} : vector<8x16x512xf32> to vector<8x8x512xf32>
    %add3A_248 = vector.broadcast %slice3A_246 : vector<8x1x512xf32> to vector<8x8x512xf32>
    %add3A_249 = arith.addf %add3A_248, %slice3A_247 : vector<8x8x512xf32>
    %slice3A_250 = vector.extract_strided_slice %slice3A {offsets = [0, 2, 0], sizes = [8, 1, 512], strides = [1, 1, 1]} : vector<8x16x512xf32> to vector<8x1x512xf32>
    %slice3A_251 = vector.extract_strided_slice %slice3A_243 {offsets = [0, 0, 0], sizes = [8, 5, 512], strides = [1, 1, 1]} : vector<8x16x512xf32> to vector<8x5x512xf32>
    %add3A_252 = vector.broadcast %slice3A_250 : vector<8x1x512xf32> to vector<8x5x512xf32>
    %add3A_253 = arith.addf %add3A_252, %slice3A_251 : vector<8x5x512xf32>
    %slice3A_254 = vector.extract_strided_slice %slice3A {offsets = [0, 3, 0], sizes = [8, 1, 512], strides = [1, 1, 1]} : vector<8x16x512xf32> to vector<8x1x512xf32>
    %slice3A_255 = vector.extract_strided_slice %slice3A_243 {offsets = [0, 0, 0], sizes = [8, 4, 512], strides = [1, 1, 1]} : vector<8x16x512xf32> to vector<8x4x512xf32>
    %add3A_256 = vector.broadcast %slice3A_254 : vector<8x1x512xf32> to vector<8x4x512xf32>
    %add3A_257 = arith.addf %add3A_256, %slice3A_255 : vector<8x4x512xf32>
    %slice3A_258 = vector.extract_strided_slice %slice3A {offsets = [0, 4, 0], sizes = [8, 1, 512], strides = [1, 1, 1]} : vector<8x16x512xf32> to vector<8x1x512xf32>
    %slice3A_259 = vector.extract_strided_slice %slice3A_243 {offsets = [0, 0, 0], sizes = [8, 3, 512], strides = [1, 1, 1]} : vector<8x16x512xf32> to vector<8x3x512xf32>
    %add3A_260 = vector.broadcast %slice3A_258 : vector<8x1x512xf32> to vector<8x3x512xf32>
    %add3A_261 = arith.addf %add3A_260, %slice3A_259 : vector<8x3x512xf32>
    %slice3A_262 = vector.extract_strided_slice %slice3A {offsets = [0, 5, 0], sizes = [8, 1, 512], strides = [1, 1, 1]} : vector<8x16x512xf32> to vector<8x1x512xf32>
    %slice3A_263 = vector.extract_strided_slice %slice3A_243 {offsets = [0, 0, 0], sizes = [8, 2, 512], strides = [1, 1, 1]} : vector<8x16x512xf32> to vector<8x2x512xf32>
    %add3A_264 = vector.broadcast %slice3A_262 : vector<8x1x512xf32> to vector<8x2x512xf32>
    %add3A_265 = arith.addf %add3A_264, %slice3A_263 : vector<8x2x512xf32>
    %slice3A_266 = vector.extract_strided_slice %slice3A {offsets = [0, 6, 0], sizes = [8, 1, 512], strides = [1, 1, 1]} : vector<8x16x512xf32> to vector<8x1x512xf32>
    %slice3A_267 = vector.extract_strided_slice %slice3A_243 {offsets = [0, 0, 0], sizes = [8, 2, 512], strides = [1, 1, 1]} : vector<8x16x512xf32> to vector<8x2x512xf32>
    %add3A_268 = vector.broadcast %slice3A_266 : vector<8x1x512xf32> to vector<8x2x512xf32>
    %add3A_269 = arith.addf %add3A_268, %slice3A_267 : vector<8x2x512xf32>
    %slice3A_270 = vector.extract_strided_slice %slice3A {offsets = [0, 7, 0], sizes = [8, 1, 512], strides = [1, 1, 1]} : vector<8x16x512xf32> to vector<8x1x512xf32>
    %slice3A_271 = vector.extract_strided_slice %slice3A_243 {offsets = [0, 0, 0], sizes = [8, 2, 512], strides = [1, 1, 1]} : vector<8x16x512xf32> to vector<8x2x512xf32>
    %add3A_272 = vector.broadcast %slice3A_270 : vector<8x1x512xf32> to vector<8x2x512xf32>
    %add3A_273 = arith.addf %add3A_272, %slice3A_271 : vector<8x2x512xf32>
    %slice3A_274 = vector.extract_strided_slice %slice3A {offsets = [0, 8, 0], sizes = [8, 1, 512], strides = [1, 1, 1]} : vector<8x16x512xf32> to vector<8x1x512xf32>
    %slice3A_275 = vector.extract_strided_slice %slice3A_243 {offsets = [0, 0, 0], sizes = [8, 1, 512], strides = [1, 1, 1]} : vector<8x16x512xf32> to vector<8x1x512xf32>
    %add3A_276 = arith.addf %slice3A_274, %slice3A_275 : vector<8x1x512xf32>
    %slice3A_277 = vector.extract_strided_slice %slice3A {offsets = [0, 9, 0], sizes = [8, 1, 512], strides = [1, 1, 1]} : vector<8x16x512xf32> to vector<8x1x512xf32>
    %slice3A_278 = vector.extract_strided_slice %slice3A_243 {offsets = [0, 0, 0], sizes = [8, 1, 512], strides = [1, 1, 1]} : vector<8x16x512xf32> to vector<8x1x512xf32>
    %add3A_279 = arith.addf %slice3A_277, %slice3A_278 : vector<8x1x512xf32>
    %slice3A_280 = vector.extract_strided_slice %slice3A {offsets = [0, 10, 0], sizes = [8, 1, 512], strides = [1, 1, 1]} : vector<8x16x512xf32> to vector<8x1x512xf32>
    %slice3A_281 = vector.extract_strided_slice %slice3A_243 {offsets = [0, 0, 0], sizes = [8, 1, 512], strides = [1, 1, 1]} : vector<8x16x512xf32> to vector<8x1x512xf32>
    %add3A_282 = arith.addf %slice3A_280, %slice3A_281 : vector<8x1x512xf32>
    %slice3A_283 = vector.extract_strided_slice %slice3A {offsets = [0, 11, 0], sizes = [8, 1, 512], strides = [1, 1, 1]} : vector<8x16x512xf32> to vector<8x1x512xf32>
    %slice3A_284 = vector.extract_strided_slice %slice3A_243 {offsets = [0, 0, 0], sizes = [8, 1, 512], strides = [1, 1, 1]} : vector<8x16x512xf32> to vector<8x1x512xf32>
    %add3A_285 = arith.addf %slice3A_283, %slice3A_284 : vector<8x1x512xf32>
    %slice3A_286 = vector.extract_strided_slice %slice3A {offsets = [0, 12, 0], sizes = [8, 1, 512], strides = [1, 1, 1]} : vector<8x16x512xf32> to vector<8x1x512xf32>
    %slice3A_287 = vector.extract_strided_slice %slice3A_243 {offsets = [0, 0, 0], sizes = [8, 1, 512], strides = [1, 1, 1]} : vector<8x16x512xf32> to vector<8x1x512xf32>
    %add3A_288 = arith.addf %slice3A_286, %slice3A_287 : vector<8x1x512xf32>
    %slice3A_289 = vector.extract_strided_slice %slice3A {offsets = [0, 13, 0], sizes = [8, 1, 512], strides = [1, 1, 1]} : vector<8x16x512xf32> to vector<8x1x512xf32>
    %slice3A_290 = vector.extract_strided_slice %slice3A_243 {offsets = [0, 0, 0], sizes = [8, 1, 512], strides = [1, 1, 1]} : vector<8x16x512xf32> to vector<8x1x512xf32>
    %add3A_291 = arith.addf %slice3A_289, %slice3A_290 : vector<8x1x512xf32>
    %slice3A_292 = vector.extract_strided_slice %slice3A {offsets = [0, 14, 0], sizes = [8, 1, 512], strides = [1, 1, 1]} : vector<8x16x512xf32> to vector<8x1x512xf32>
    %slice3A_293 = vector.extract_strided_slice %slice3A_243 {offsets = [0, 0, 0], sizes = [8, 1, 512], strides = [1, 1, 1]} : vector<8x16x512xf32> to vector<8x1x512xf32>
    %add3A_294 = arith.addf %slice3A_292, %slice3A_293 : vector<8x1x512xf32>
    %slice3A_295 = vector.extract_strided_slice %slice3A {offsets = [0, 15, 0], sizes = [8, 1, 512], strides = [1, 1, 1]} : vector<8x16x512xf32> to vector<8x1x512xf32>
    %slice3A_296 = vector.extract_strided_slice %slice3A_243 {offsets = [0, 0, 0], sizes = [8, 1, 512], strides = [1, 1, 1]} : vector<8x16x512xf32> to vector<8x1x512xf32>
    %add3A_297 = arith.addf %slice3A_295, %slice3A_296 : vector<8x1x512xf32>
    %broadcast_in_dim3A_298 = arith.constant 0xFF800000 : f32
    %broadcast_in_dim3A_299 = vector.broadcast %broadcast_in_dim3A_298 : f32 to vector<8x14x512xf32>
    %concatenate3A_300 = tpu.concatenate %add3A_245, %add3A_249, %add3A_253, %add3A_257, %add3A_261, %add3A_265, %add3A_269, %add3A_273, %add3A_276, %add3A_279, %add3A_282, %add3A_285, %add3A_288, %add3A_291, %add3A_294, %add3A_297, %broadcast_in_dim3A_299 in 1 : vector<8x16x512xf32>, vector<8x8x512xf32>, vector<8x5x512xf32>, vector<8x4x512xf32>, vector<8x3x512xf32>, vector<8x2x512xf32>, vector<8x2x512xf32>, vector<8x2x512xf32>, vector<8x1x512xf32>, vector<8x1x512xf32>, vector<8x1x512xf32>, vector<8x1x512xf32>, vector<8x1x512xf32>, vector<8x1x512xf32>, vector<8x1x512xf32>, vector<8x1x512xf32>, vector<8x14x512xf32> -> vector<8x64x512xf32>
    %get3A_301 = arith.constant 0 : index
    %get3A_302 = arith.constant 0 : index
    %get3A_303 = vector.load %arg3[%get3A_301, %get3A_302] : memref<64x128xf32, #tpu.memory_space<vmem>>, vector<64x128xf32>
    %slice3A_304 = vector.extract_strided_slice %get3A_303 {offsets = [0, 0], sizes = [64, 1], strides = [1, 1]} : vector<64x128xf32> to vector<64x1xf32>
    %broadcast_in_dim3A_305 = vector.shape_cast %slice3A_304 : vector<64x1xf32> to vector<1x64x1xf32>
    %reduce_max3A_306 = arith.constant dense<0xFF800000> : vector<8x512xf32>
    %reduce_max3A_307 = vector.multi_reduction <maximumf>, %concatenate3A_300, %reduce_max3A_306 [1] : vector<8x64x512xf32> to vector<8x512xf32>
    %broadcast_in_dim3A_308 = vector.shape_cast %reduce_max3A_307 : vector<8x512xf32> to vector<8x1x512xf32>
    %eq3A_309 = vector.broadcast %broadcast_in_dim3A_308 : vector<8x1x512xf32> to vector<8x64x512xf32>
    %eq3A_310 = arith.cmpf oeq, %concatenate3A_300, %eq3A_309 : vector<8x64x512xf32>
    %jit3A_311 = arith.constant 4.096000e+03 : f32
    %broadcast_in_dim3A_312 = vector.shape_cast %broadcast_in_dim3A_305 : vector<1x64x1xf32> to vector<1x64x1xf32>
    %broadcast_in_dim3A_313 = vector.broadcast %broadcast_in_dim3A_312 : vector<1x64x1xf32> to vector<8x64x512xf32>
    %broadcast_in_dim3A_314 = vector.broadcast %jit3A_311 : f32 to vector<8x64x512xf32>
    %select_n3A_315 = arith.select %eq3A_310, %broadcast_in_dim3A_313, %broadcast_in_dim3A_314 : vector<8x64x512xi1>, vector<8x64x512xf32>
    %reduce_min3A_316 = arith.constant dense<0x7F800000> : vector<8x512xf32>
    %reduce_min3A_317 = vector.multi_reduction <minimumf>, %select_n3A_315, %reduce_min3A_316 [1] : vector<8x64x512xf32> to vector<8x512xf32>
    %broadcast_in_dim3A_318 = vector.shape_cast %reduce_min3A_317 : vector<8x512xf32> to vector<8x1x512xf32>
    %eq3A_319 = vector.broadcast %broadcast_in_dim3A_305 : vector<1x64x1xf32> to vector<8x64x512xf32>
    %eq3A_320 = vector.broadcast %broadcast_in_dim3A_318 : vector<8x1x512xf32> to vector<8x64x512xf32>
    %eq3A_321 = arith.cmpf oeq, %eq3A_319, %eq3A_320 : vector<8x64x512xf32>
    %jit3A_322 = arith.constant 0xFF800000 : f32
    %broadcast_in_dim3A_323 = vector.broadcast %jit3A_322 : f32 to vector<8x64x512xf32>
    %select_n3A_324 = arith.select %eq3A_321, %broadcast_in_dim3A_323, %concatenate3A_300 : vector<8x64x512xi1>, vector<8x64x512xf32>
    %reduce_max3A_325 = arith.constant dense<0xFF800000> : vector<8x512xf32>
    %reduce_max3A_326 = vector.multi_reduction <maximumf>, %select_n3A_324, %reduce_max3A_325 [1] : vector<8x64x512xf32> to vector<8x512xf32>
    %broadcast_in_dim3A_327 = vector.shape_cast %reduce_max3A_326 : vector<8x512xf32> to vector<8x1x512xf32>
    %eq3A_328 = vector.broadcast %broadcast_in_dim3A_327 : vector<8x1x512xf32> to vector<8x64x512xf32>
    %eq3A_329 = arith.cmpf oeq, %select_n3A_324, %eq3A_328 : vector<8x64x512xf32>
    %jit3A_330 = arith.constant 4.096000e+03 : f32
    %broadcast_in_dim3A_331 = vector.shape_cast %broadcast_in_dim3A_305 : vector<1x64x1xf32> to vector<1x64x1xf32>
    %broadcast_in_dim3A_332 = vector.broadcast %broadcast_in_dim3A_331 : vector<1x64x1xf32> to vector<8x64x512xf32>
    %broadcast_in_dim3A_333 = vector.broadcast %jit3A_330 : f32 to vector<8x64x512xf32>
    %select_n3A_334 = arith.select %eq3A_329, %broadcast_in_dim3A_332, %broadcast_in_dim3A_333 : vector<8x64x512xi1>, vector<8x64x512xf32>
    %reduce_min3A_335 = arith.constant dense<0x7F800000> : vector<8x512xf32>
    %reduce_min3A_336 = vector.multi_reduction <minimumf>, %select_n3A_334, %reduce_min3A_335 [1] : vector<8x64x512xf32> to vector<8x512xf32>
    %broadcast_in_dim3A_337 = vector.shape_cast %reduce_min3A_336 : vector<8x512xf32> to vector<8x1x512xf32>
    %eq3A_338 = vector.broadcast %broadcast_in_dim3A_305 : vector<1x64x1xf32> to vector<8x64x512xf32>
    %eq3A_339 = vector.broadcast %broadcast_in_dim3A_337 : vector<8x1x512xf32> to vector<8x64x512xf32>
    %eq3A_340 = arith.cmpf oeq, %eq3A_338, %eq3A_339 : vector<8x64x512xf32>
    %jit3A_341 = arith.constant 0xFF800000 : f32
    %broadcast_in_dim3A_342 = vector.broadcast %jit3A_341 : f32 to vector<8x64x512xf32>
    %select_n3A_343 = arith.select %eq3A_340, %broadcast_in_dim3A_342, %select_n3A_324 : vector<8x64x512xi1>, vector<8x64x512xf32>
    %reduce_max3A_344 = arith.constant dense<0xFF800000> : vector<8x512xf32>
    %reduce_max3A_345 = vector.multi_reduction <maximumf>, %select_n3A_343, %reduce_max3A_344 [1] : vector<8x64x512xf32> to vector<8x512xf32>
    %broadcast_in_dim3A_346 = vector.shape_cast %reduce_max3A_345 : vector<8x512xf32> to vector<8x1x512xf32>
    %eq3A_347 = vector.broadcast %broadcast_in_dim3A_346 : vector<8x1x512xf32> to vector<8x64x512xf32>
    %eq3A_348 = arith.cmpf oeq, %select_n3A_343, %eq3A_347 : vector<8x64x512xf32>
    %jit3A_349 = arith.constant 4.096000e+03 : f32
    %broadcast_in_dim3A_350 = vector.shape_cast %broadcast_in_dim3A_305 : vector<1x64x1xf32> to vector<1x64x1xf32>
    %broadcast_in_dim3A_351 = vector.broadcast %broadcast_in_dim3A_350 : vector<1x64x1xf32> to vector<8x64x512xf32>
    %broadcast_in_dim3A_352 = vector.broadcast %jit3A_349 : f32 to vector<8x64x512xf32>
    %select_n3A_353 = arith.select %eq3A_348, %broadcast_in_dim3A_351, %broadcast_in_dim3A_352 : vector<8x64x512xi1>, vector<8x64x512xf32>
    %reduce_min3A_354 = arith.constant dense<0x7F800000> : vector<8x512xf32>
    %reduce_min3A_355 = vector.multi_reduction <minimumf>, %select_n3A_353, %reduce_min3A_354 [1] : vector<8x64x512xf32> to vector<8x512xf32>
    %broadcast_in_dim3A_356 = vector.shape_cast %reduce_min3A_355 : vector<8x512xf32> to vector<8x1x512xf32>
    %eq3A_357 = vector.broadcast %broadcast_in_dim3A_305 : vector<1x64x1xf32> to vector<8x64x512xf32>
    %eq3A_358 = vector.broadcast %broadcast_in_dim3A_356 : vector<8x1x512xf32> to vector<8x64x512xf32>
    %eq3A_359 = arith.cmpf oeq, %eq3A_357, %eq3A_358 : vector<8x64x512xf32>
    %jit3A_360 = arith.constant 0xFF800000 : f32
    %broadcast_in_dim3A_361 = vector.broadcast %jit3A_360 : f32 to vector<8x64x512xf32>
    %select_n3A_362 = arith.select %eq3A_359, %broadcast_in_dim3A_361, %select_n3A_343 : vector<8x64x512xi1>, vector<8x64x512xf32>
    %reduce_max3A_363 = arith.constant dense<0xFF800000> : vector<8x512xf32>
    %reduce_max3A_364 = vector.multi_reduction <maximumf>, %select_n3A_362, %reduce_max3A_363 [1] : vector<8x64x512xf32> to vector<8x512xf32>
    %broadcast_in_dim3A_365 = vector.shape_cast %reduce_max3A_364 : vector<8x512xf32> to vector<8x1x512xf32>
    %eq3A_366 = vector.broadcast %broadcast_in_dim3A_365 : vector<8x1x512xf32> to vector<8x64x512xf32>
    %eq3A_367 = arith.cmpf oeq, %select_n3A_362, %eq3A_366 : vector<8x64x512xf32>
    %jit3A_368 = arith.constant 4.096000e+03 : f32
    %broadcast_in_dim3A_369 = vector.shape_cast %broadcast_in_dim3A_305 : vector<1x64x1xf32> to vector<1x64x1xf32>
    %broadcast_in_dim3A_370 = vector.broadcast %broadcast_in_dim3A_369 : vector<1x64x1xf32> to vector<8x64x512xf32>
    %broadcast_in_dim3A_371 = vector.broadcast %jit3A_368 : f32 to vector<8x64x512xf32>
    %select_n3A_372 = arith.select %eq3A_367, %broadcast_in_dim3A_370, %broadcast_in_dim3A_371 : vector<8x64x512xi1>, vector<8x64x512xf32>
    %reduce_min3A_373 = arith.constant dense<0x7F800000> : vector<8x512xf32>
    %reduce_min3A_374 = vector.multi_reduction <minimumf>, %select_n3A_372, %reduce_min3A_373 [1] : vector<8x64x512xf32> to vector<8x512xf32>
    %broadcast_in_dim3A_375 = vector.shape_cast %reduce_min3A_374 : vector<8x512xf32> to vector<8x1x512xf32>
    %eq3A_376 = vector.broadcast %broadcast_in_dim3A_305 : vector<1x64x1xf32> to vector<8x64x512xf32>
    %eq3A_377 = vector.broadcast %broadcast_in_dim3A_375 : vector<8x1x512xf32> to vector<8x64x512xf32>
    %eq3A_378 = arith.cmpf oeq, %eq3A_376, %eq3A_377 : vector<8x64x512xf32>
    %jit3A_379 = arith.constant 0xFF800000 : f32
    %broadcast_in_dim3A_380 = vector.broadcast %jit3A_379 : f32 to vector<8x64x512xf32>
    %select_n3A_381 = arith.select %eq3A_378, %broadcast_in_dim3A_380, %select_n3A_362 : vector<8x64x512xi1>, vector<8x64x512xf32>
    %reduce_max3A_382 = arith.constant dense<0xFF800000> : vector<8x512xf32>
    %reduce_max3A_383 = vector.multi_reduction <maximumf>, %select_n3A_381, %reduce_max3A_382 [1] : vector<8x64x512xf32> to vector<8x512xf32>
    %broadcast_in_dim3A_384 = vector.shape_cast %reduce_max3A_383 : vector<8x512xf32> to vector<8x1x512xf32>
    %eq3A_385 = vector.broadcast %broadcast_in_dim3A_384 : vector<8x1x512xf32> to vector<8x64x512xf32>
    %eq3A_386 = arith.cmpf oeq, %select_n3A_381, %eq3A_385 : vector<8x64x512xf32>
    %jit3A_387 = arith.constant 4.096000e+03 : f32
    %broadcast_in_dim3A_388 = vector.shape_cast %broadcast_in_dim3A_305 : vector<1x64x1xf32> to vector<1x64x1xf32>
    %broadcast_in_dim3A_389 = vector.broadcast %broadcast_in_dim3A_388 : vector<1x64x1xf32> to vector<8x64x512xf32>
    %broadcast_in_dim3A_390 = vector.broadcast %jit3A_387 : f32 to vector<8x64x512xf32>
    %select_n3A_391 = arith.select %eq3A_386, %broadcast_in_dim3A_389, %broadcast_in_dim3A_390 : vector<8x64x512xi1>, vector<8x64x512xf32>
    %reduce_min3A_392 = arith.constant dense<0x7F800000> : vector<8x512xf32>
    %reduce_min3A_393 = vector.multi_reduction <minimumf>, %select_n3A_391, %reduce_min3A_392 [1] : vector<8x64x512xf32> to vector<8x512xf32>
    %broadcast_in_dim3A_394 = vector.shape_cast %reduce_min3A_393 : vector<8x512xf32> to vector<8x1x512xf32>
    %eq3A_395 = vector.broadcast %broadcast_in_dim3A_305 : vector<1x64x1xf32> to vector<8x64x512xf32>
    %eq3A_396 = vector.broadcast %broadcast_in_dim3A_394 : vector<8x1x512xf32> to vector<8x64x512xf32>
    %eq3A_397 = arith.cmpf oeq, %eq3A_395, %eq3A_396 : vector<8x64x512xf32>
    %jit3A_398 = arith.constant 0xFF800000 : f32
    %broadcast_in_dim3A_399 = vector.broadcast %jit3A_398 : f32 to vector<8x64x512xf32>
    %select_n3A_400 = arith.select %eq3A_397, %broadcast_in_dim3A_399, %select_n3A_381 : vector<8x64x512xi1>, vector<8x64x512xf32>
    %reduce_max3A_401 = arith.constant dense<0xFF800000> : vector<8x512xf32>
    %reduce_max3A_402 = vector.multi_reduction <maximumf>, %select_n3A_400, %reduce_max3A_401 [1] : vector<8x64x512xf32> to vector<8x512xf32>
    %broadcast_in_dim3A_403 = vector.shape_cast %reduce_max3A_402 : vector<8x512xf32> to vector<8x1x512xf32>
    %eq3A_404 = vector.broadcast %broadcast_in_dim3A_403 : vector<8x1x512xf32> to vector<8x64x512xf32>
    %eq3A_405 = arith.cmpf oeq, %select_n3A_400, %eq3A_404 : vector<8x64x512xf32>
    %jit3A_406 = arith.constant 4.096000e+03 : f32
    %broadcast_in_dim3A_407 = vector.shape_cast %broadcast_in_dim3A_305 : vector<1x64x1xf32> to vector<1x64x1xf32>
    %broadcast_in_dim3A_408 = vector.broadcast %broadcast_in_dim3A_407 : vector<1x64x1xf32> to vector<8x64x512xf32>
    %broadcast_in_dim3A_409 = vector.broadcast %jit3A_406 : f32 to vector<8x64x512xf32>
    %select_n3A_410 = arith.select %eq3A_405, %broadcast_in_dim3A_408, %broadcast_in_dim3A_409 : vector<8x64x512xi1>, vector<8x64x512xf32>
    %reduce_min3A_411 = arith.constant dense<0x7F800000> : vector<8x512xf32>
    %reduce_min3A_412 = vector.multi_reduction <minimumf>, %select_n3A_410, %reduce_min3A_411 [1] : vector<8x64x512xf32> to vector<8x512xf32>
    %broadcast_in_dim3A_413 = vector.shape_cast %reduce_min3A_412 : vector<8x512xf32> to vector<8x1x512xf32>
    %eq3A_414 = vector.broadcast %broadcast_in_dim3A_305 : vector<1x64x1xf32> to vector<8x64x512xf32>
    %eq3A_415 = vector.broadcast %broadcast_in_dim3A_413 : vector<8x1x512xf32> to vector<8x64x512xf32>
    %eq3A_416 = arith.cmpf oeq, %eq3A_414, %eq3A_415 : vector<8x64x512xf32>
    %jit3A_417 = arith.constant 0xFF800000 : f32
    %broadcast_in_dim3A_418 = vector.broadcast %jit3A_417 : f32 to vector<8x64x512xf32>
    %select_n3A_419 = arith.select %eq3A_416, %broadcast_in_dim3A_418, %select_n3A_400 : vector<8x64x512xi1>, vector<8x64x512xf32>
    %reduce_max3A_420 = arith.constant dense<0xFF800000> : vector<8x512xf32>
    %reduce_max3A_421 = vector.multi_reduction <maximumf>, %select_n3A_419, %reduce_max3A_420 [1] : vector<8x64x512xf32> to vector<8x512xf32>
    %broadcast_in_dim3A_422 = vector.shape_cast %reduce_max3A_421 : vector<8x512xf32> to vector<8x1x512xf32>
    %eq3A_423 = vector.broadcast %broadcast_in_dim3A_422 : vector<8x1x512xf32> to vector<8x64x512xf32>
    %eq3A_424 = arith.cmpf oeq, %select_n3A_419, %eq3A_423 : vector<8x64x512xf32>
    %jit3A_425 = arith.constant 4.096000e+03 : f32
    %broadcast_in_dim3A_426 = vector.shape_cast %broadcast_in_dim3A_305 : vector<1x64x1xf32> to vector<1x64x1xf32>
    %broadcast_in_dim3A_427 = vector.broadcast %broadcast_in_dim3A_426 : vector<1x64x1xf32> to vector<8x64x512xf32>
    %broadcast_in_dim3A_428 = vector.broadcast %jit3A_425 : f32 to vector<8x64x512xf32>
    %select_n3A_429 = arith.select %eq3A_424, %broadcast_in_dim3A_427, %broadcast_in_dim3A_428 : vector<8x64x512xi1>, vector<8x64x512xf32>
    %reduce_min3A_430 = arith.constant dense<0x7F800000> : vector<8x512xf32>
    %reduce_min3A_431 = vector.multi_reduction <minimumf>, %select_n3A_429, %reduce_min3A_430 [1] : vector<8x64x512xf32> to vector<8x512xf32>
    %broadcast_in_dim3A_432 = vector.shape_cast %reduce_min3A_431 : vector<8x512xf32> to vector<8x1x512xf32>
    %eq3A_433 = vector.broadcast %broadcast_in_dim3A_305 : vector<1x64x1xf32> to vector<8x64x512xf32>
    %eq3A_434 = vector.broadcast %broadcast_in_dim3A_432 : vector<8x1x512xf32> to vector<8x64x512xf32>
    %eq3A_435 = arith.cmpf oeq, %eq3A_433, %eq3A_434 : vector<8x64x512xf32>
    %jit3A_436 = arith.constant 0xFF800000 : f32
    %broadcast_in_dim3A_437 = vector.broadcast %jit3A_436 : f32 to vector<8x64x512xf32>
    %select_n3A_438 = arith.select %eq3A_435, %broadcast_in_dim3A_437, %select_n3A_419 : vector<8x64x512xi1>, vector<8x64x512xf32>
    %reduce_max3A_439 = arith.constant dense<0xFF800000> : vector<8x512xf32>
    %reduce_max3A_440 = vector.multi_reduction <maximumf>, %select_n3A_438, %reduce_max3A_439 [1] : vector<8x64x512xf32> to vector<8x512xf32>
    %broadcast_in_dim3A_441 = vector.shape_cast %reduce_max3A_440 : vector<8x512xf32> to vector<8x1x512xf32>
    %eq3A_442 = vector.broadcast %broadcast_in_dim3A_441 : vector<8x1x512xf32> to vector<8x64x512xf32>
    %eq3A_443 = arith.cmpf oeq, %select_n3A_438, %eq3A_442 : vector<8x64x512xf32>
    %jit3A_444 = arith.constant 4.096000e+03 : f32
    %broadcast_in_dim3A_445 = vector.shape_cast %broadcast_in_dim3A_305 : vector<1x64x1xf32> to vector<1x64x1xf32>
    %broadcast_in_dim3A_446 = vector.broadcast %broadcast_in_dim3A_445 : vector<1x64x1xf32> to vector<8x64x512xf32>
    %broadcast_in_dim3A_447 = vector.broadcast %jit3A_444 : f32 to vector<8x64x512xf32>
    %select_n3A_448 = arith.select %eq3A_443, %broadcast_in_dim3A_446, %broadcast_in_dim3A_447 : vector<8x64x512xi1>, vector<8x64x512xf32>
    %reduce_min3A_449 = arith.constant dense<0x7F800000> : vector<8x512xf32>
    %reduce_min3A_450 = vector.multi_reduction <minimumf>, %select_n3A_448, %reduce_min3A_449 [1] : vector<8x64x512xf32> to vector<8x512xf32>
    %broadcast_in_dim3A_451 = vector.shape_cast %reduce_min3A_450 : vector<8x512xf32> to vector<8x1x512xf32>
    %eq3A_452 = vector.broadcast %broadcast_in_dim3A_305 : vector<1x64x1xf32> to vector<8x64x512xf32>
    %eq3A_453 = vector.broadcast %broadcast_in_dim3A_451 : vector<8x1x512xf32> to vector<8x64x512xf32>
    %eq3A_454 = arith.cmpf oeq, %eq3A_452, %eq3A_453 : vector<8x64x512xf32>
    %jit3A_455 = arith.constant 0xFF800000 : f32
    %broadcast_in_dim3A_456 = vector.broadcast %jit3A_455 : f32 to vector<8x64x512xf32>
    %select_n3A_457 = arith.select %eq3A_454, %broadcast_in_dim3A_456, %select_n3A_438 : vector<8x64x512xi1>, vector<8x64x512xf32>
    %reduce_max3A_458 = arith.constant dense<0xFF800000> : vector<8x512xf32>
    %reduce_max3A_459 = vector.multi_reduction <maximumf>, %select_n3A_457, %reduce_max3A_458 [1] : vector<8x64x512xf32> to vector<8x512xf32>
    %broadcast_in_dim3A_460 = vector.shape_cast %reduce_max3A_459 : vector<8x512xf32> to vector<8x1x512xf32>
    %eq3A_461 = vector.broadcast %broadcast_in_dim3A_460 : vector<8x1x512xf32> to vector<8x64x512xf32>
    %eq3A_462 = arith.cmpf oeq, %select_n3A_457, %eq3A_461 : vector<8x64x512xf32>
    %jit3A_463 = arith.constant 4.096000e+03 : f32
    %broadcast_in_dim3A_464 = vector.shape_cast %broadcast_in_dim3A_305 : vector<1x64x1xf32> to vector<1x64x1xf32>
    %broadcast_in_dim3A_465 = vector.broadcast %broadcast_in_dim3A_464 : vector<1x64x1xf32> to vector<8x64x512xf32>
    %broadcast_in_dim3A_466 = vector.broadcast %jit3A_463 : f32 to vector<8x64x512xf32>
    %select_n3A_467 = arith.select %eq3A_462, %broadcast_in_dim3A_465, %broadcast_in_dim3A_466 : vector<8x64x512xi1>, vector<8x64x512xf32>
    %reduce_min3A_468 = arith.constant dense<0x7F800000> : vector<8x512xf32>
    %reduce_min3A_469 = vector.multi_reduction <minimumf>, %select_n3A_467, %reduce_min3A_468 [1] : vector<8x64x512xf32> to vector<8x512xf32>
    %broadcast_in_dim3A_470 = vector.shape_cast %reduce_min3A_469 : vector<8x512xf32> to vector<8x1x512xf32>
    %eq3A_471 = vector.broadcast %broadcast_in_dim3A_305 : vector<1x64x1xf32> to vector<8x64x512xf32>
    %eq3A_472 = vector.broadcast %broadcast_in_dim3A_470 : vector<8x1x512xf32> to vector<8x64x512xf32>
    %eq3A_473 = arith.cmpf oeq, %eq3A_471, %eq3A_472 : vector<8x64x512xf32>
    %jit3A_474 = arith.constant 0xFF800000 : f32
    %broadcast_in_dim3A_475 = vector.broadcast %jit3A_474 : f32 to vector<8x64x512xf32>
    %select_n3A_476 = arith.select %eq3A_473, %broadcast_in_dim3A_475, %select_n3A_457 : vector<8x64x512xi1>, vector<8x64x512xf32>
    %reduce_max3A_477 = arith.constant dense<0xFF800000> : vector<8x512xf32>
    %reduce_max3A_478 = vector.multi_reduction <maximumf>, %select_n3A_476, %reduce_max3A_477 [1] : vector<8x64x512xf32> to vector<8x512xf32>
    %broadcast_in_dim3A_479 = vector.shape_cast %reduce_max3A_478 : vector<8x512xf32> to vector<8x1x512xf32>
    %eq3A_480 = vector.broadcast %broadcast_in_dim3A_479 : vector<8x1x512xf32> to vector<8x64x512xf32>
    %eq3A_481 = arith.cmpf oeq, %select_n3A_476, %eq3A_480 : vector<8x64x512xf32>
    %jit3A_482 = arith.constant 4.096000e+03 : f32
    %broadcast_in_dim3A_483 = vector.shape_cast %broadcast_in_dim3A_305 : vector<1x64x1xf32> to vector<1x64x1xf32>
    %broadcast_in_dim3A_484 = vector.broadcast %broadcast_in_dim3A_483 : vector<1x64x1xf32> to vector<8x64x512xf32>
    %broadcast_in_dim3A_485 = vector.broadcast %jit3A_482 : f32 to vector<8x64x512xf32>
    %select_n3A_486 = arith.select %eq3A_481, %broadcast_in_dim3A_484, %broadcast_in_dim3A_485 : vector<8x64x512xi1>, vector<8x64x512xf32>
    %reduce_min3A_487 = arith.constant dense<0x7F800000> : vector<8x512xf32>
    %reduce_min3A_488 = vector.multi_reduction <minimumf>, %select_n3A_486, %reduce_min3A_487 [1] : vector<8x64x512xf32> to vector<8x512xf32>
    %broadcast_in_dim3A_489 = vector.shape_cast %reduce_min3A_488 : vector<8x512xf32> to vector<8x1x512xf32>
    %eq3A_490 = vector.broadcast %broadcast_in_dim3A_305 : vector<1x64x1xf32> to vector<8x64x512xf32>
    %eq3A_491 = vector.broadcast %broadcast_in_dim3A_489 : vector<8x1x512xf32> to vector<8x64x512xf32>
    %eq3A_492 = arith.cmpf oeq, %eq3A_490, %eq3A_491 : vector<8x64x512xf32>
    %jit3A_493 = arith.constant 0xFF800000 : f32
    %broadcast_in_dim3A_494 = vector.broadcast %jit3A_493 : f32 to vector<8x64x512xf32>
    %select_n3A_495 = arith.select %eq3A_492, %broadcast_in_dim3A_494, %select_n3A_476 : vector<8x64x512xi1>, vector<8x64x512xf32>
    %reduce_max3A_496 = arith.constant dense<0xFF800000> : vector<8x512xf32>
    %reduce_max3A_497 = vector.multi_reduction <maximumf>, %select_n3A_495, %reduce_max3A_496 [1] : vector<8x64x512xf32> to vector<8x512xf32>
    %broadcast_in_dim3A_498 = vector.shape_cast %reduce_max3A_497 : vector<8x512xf32> to vector<8x1x512xf32>
    %eq3A_499 = vector.broadcast %broadcast_in_dim3A_498 : vector<8x1x512xf32> to vector<8x64x512xf32>
    %eq3A_500 = arith.cmpf oeq, %select_n3A_495, %eq3A_499 : vector<8x64x512xf32>
    %jit3A_501 = arith.constant 4.096000e+03 : f32
    %broadcast_in_dim3A_502 = vector.shape_cast %broadcast_in_dim3A_305 : vector<1x64x1xf32> to vector<1x64x1xf32>
    %broadcast_in_dim3A_503 = vector.broadcast %broadcast_in_dim3A_502 : vector<1x64x1xf32> to vector<8x64x512xf32>
    %broadcast_in_dim3A_504 = vector.broadcast %jit3A_501 : f32 to vector<8x64x512xf32>
    %select_n3A_505 = arith.select %eq3A_500, %broadcast_in_dim3A_503, %broadcast_in_dim3A_504 : vector<8x64x512xi1>, vector<8x64x512xf32>
    %reduce_min3A_506 = arith.constant dense<0x7F800000> : vector<8x512xf32>
    %reduce_min3A_507 = vector.multi_reduction <minimumf>, %select_n3A_505, %reduce_min3A_506 [1] : vector<8x64x512xf32> to vector<8x512xf32>
    %broadcast_in_dim3A_508 = vector.shape_cast %reduce_min3A_507 : vector<8x512xf32> to vector<8x1x512xf32>
    %eq3A_509 = vector.broadcast %broadcast_in_dim3A_305 : vector<1x64x1xf32> to vector<8x64x512xf32>
    %eq3A_510 = vector.broadcast %broadcast_in_dim3A_508 : vector<8x1x512xf32> to vector<8x64x512xf32>
    %eq3A_511 = arith.cmpf oeq, %eq3A_509, %eq3A_510 : vector<8x64x512xf32>
    %jit3A_512 = arith.constant 0xFF800000 : f32
    %broadcast_in_dim3A_513 = vector.broadcast %jit3A_512 : f32 to vector<8x64x512xf32>
    %select_n3A_514 = arith.select %eq3A_511, %broadcast_in_dim3A_513, %select_n3A_495 : vector<8x64x512xi1>, vector<8x64x512xf32>
    %reduce_max3A_515 = arith.constant dense<0xFF800000> : vector<8x512xf32>
    %reduce_max3A_516 = vector.multi_reduction <maximumf>, %select_n3A_514, %reduce_max3A_515 [1] : vector<8x64x512xf32> to vector<8x512xf32>
    %broadcast_in_dim3A_517 = vector.shape_cast %reduce_max3A_516 : vector<8x512xf32> to vector<8x1x512xf32>
    %eq3A_518 = vector.broadcast %broadcast_in_dim3A_517 : vector<8x1x512xf32> to vector<8x64x512xf32>
    %eq3A_519 = arith.cmpf oeq, %select_n3A_514, %eq3A_518 : vector<8x64x512xf32>
    %jit3A_520 = arith.constant 4.096000e+03 : f32
    %broadcast_in_dim3A_521 = vector.shape_cast %broadcast_in_dim3A_305 : vector<1x64x1xf32> to vector<1x64x1xf32>
    %broadcast_in_dim3A_522 = vector.broadcast %broadcast_in_dim3A_521 : vector<1x64x1xf32> to vector<8x64x512xf32>
    %broadcast_in_dim3A_523 = vector.broadcast %jit3A_520 : f32 to vector<8x64x512xf32>
    %select_n3A_524 = arith.select %eq3A_519, %broadcast_in_dim3A_522, %broadcast_in_dim3A_523 : vector<8x64x512xi1>, vector<8x64x512xf32>
    %reduce_min3A_525 = arith.constant dense<0x7F800000> : vector<8x512xf32>
    %reduce_min3A_526 = vector.multi_reduction <minimumf>, %select_n3A_524, %reduce_min3A_525 [1] : vector<8x64x512xf32> to vector<8x512xf32>
    %broadcast_in_dim3A_527 = vector.shape_cast %reduce_min3A_526 : vector<8x512xf32> to vector<8x1x512xf32>
    %eq3A_528 = vector.broadcast %broadcast_in_dim3A_305 : vector<1x64x1xf32> to vector<8x64x512xf32>
    %eq3A_529 = vector.broadcast %broadcast_in_dim3A_527 : vector<8x1x512xf32> to vector<8x64x512xf32>
    %eq3A_530 = arith.cmpf oeq, %eq3A_528, %eq3A_529 : vector<8x64x512xf32>
    %jit3A_531 = arith.constant 0xFF800000 : f32
    %broadcast_in_dim3A_532 = vector.broadcast %jit3A_531 : f32 to vector<8x64x512xf32>
    %select_n3A_533 = arith.select %eq3A_530, %broadcast_in_dim3A_532, %select_n3A_514 : vector<8x64x512xi1>, vector<8x64x512xf32>
    %reduce_max3A_534 = arith.constant dense<0xFF800000> : vector<8x512xf32>
    %reduce_max3A_535 = vector.multi_reduction <maximumf>, %select_n3A_533, %reduce_max3A_534 [1] : vector<8x64x512xf32> to vector<8x512xf32>
    %broadcast_in_dim3A_536 = vector.shape_cast %reduce_max3A_535 : vector<8x512xf32> to vector<8x1x512xf32>
    %eq3A_537 = vector.broadcast %broadcast_in_dim3A_536 : vector<8x1x512xf32> to vector<8x64x512xf32>
    %eq3A_538 = arith.cmpf oeq, %select_n3A_533, %eq3A_537 : vector<8x64x512xf32>
    %jit3A_539 = arith.constant 4.096000e+03 : f32
    %broadcast_in_dim3A_540 = vector.shape_cast %broadcast_in_dim3A_305 : vector<1x64x1xf32> to vector<1x64x1xf32>
    %broadcast_in_dim3A_541 = vector.broadcast %broadcast_in_dim3A_540 : vector<1x64x1xf32> to vector<8x64x512xf32>
    %broadcast_in_dim3A_542 = vector.broadcast %jit3A_539 : f32 to vector<8x64x512xf32>
    %select_n3A_543 = arith.select %eq3A_538, %broadcast_in_dim3A_541, %broadcast_in_dim3A_542 : vector<8x64x512xi1>, vector<8x64x512xf32>
    %reduce_min3A_544 = arith.constant dense<0x7F800000> : vector<8x512xf32>
    %reduce_min3A_545 = vector.multi_reduction <minimumf>, %select_n3A_543, %reduce_min3A_544 [1] : vector<8x64x512xf32> to vector<8x512xf32>
    %broadcast_in_dim3A_546 = vector.shape_cast %reduce_min3A_545 : vector<8x512xf32> to vector<8x1x512xf32>
    %eq3A_547 = vector.broadcast %broadcast_in_dim3A_305 : vector<1x64x1xf32> to vector<8x64x512xf32>
    %eq3A_548 = vector.broadcast %broadcast_in_dim3A_546 : vector<8x1x512xf32> to vector<8x64x512xf32>
    %eq3A_549 = arith.cmpf oeq, %eq3A_547, %eq3A_548 : vector<8x64x512xf32>
    %jit3A_550 = arith.constant 0xFF800000 : f32
    %broadcast_in_dim3A_551 = vector.broadcast %jit3A_550 : f32 to vector<8x64x512xf32>
    %select_n3A_552 = arith.select %eq3A_549, %broadcast_in_dim3A_551, %select_n3A_533 : vector<8x64x512xi1>, vector<8x64x512xf32>
    %reduce_max3A_553 = arith.constant dense<0xFF800000> : vector<8x512xf32>
    %reduce_max3A_554 = vector.multi_reduction <maximumf>, %select_n3A_552, %reduce_max3A_553 [1] : vector<8x64x512xf32> to vector<8x512xf32>
    %broadcast_in_dim3A_555 = vector.shape_cast %reduce_max3A_554 : vector<8x512xf32> to vector<8x1x512xf32>
    %eq3A_556 = vector.broadcast %broadcast_in_dim3A_555 : vector<8x1x512xf32> to vector<8x64x512xf32>
    %eq3A_557 = arith.cmpf oeq, %select_n3A_552, %eq3A_556 : vector<8x64x512xf32>
    %jit3A_558 = arith.constant 4.096000e+03 : f32
    %broadcast_in_dim3A_559 = vector.shape_cast %broadcast_in_dim3A_305 : vector<1x64x1xf32> to vector<1x64x1xf32>
    %broadcast_in_dim3A_560 = vector.broadcast %broadcast_in_dim3A_559 : vector<1x64x1xf32> to vector<8x64x512xf32>
    %broadcast_in_dim3A_561 = vector.broadcast %jit3A_558 : f32 to vector<8x64x512xf32>
    %select_n3A_562 = arith.select %eq3A_557, %broadcast_in_dim3A_560, %broadcast_in_dim3A_561 : vector<8x64x512xi1>, vector<8x64x512xf32>
    %reduce_min3A_563 = arith.constant dense<0x7F800000> : vector<8x512xf32>
    %reduce_min3A_564 = vector.multi_reduction <minimumf>, %select_n3A_562, %reduce_min3A_563 [1] : vector<8x64x512xf32> to vector<8x512xf32>
    %broadcast_in_dim3A_565 = vector.shape_cast %reduce_min3A_564 : vector<8x512xf32> to vector<8x1x512xf32>
    %eq3A_566 = vector.broadcast %broadcast_in_dim3A_305 : vector<1x64x1xf32> to vector<8x64x512xf32>
    %eq3A_567 = vector.broadcast %broadcast_in_dim3A_565 : vector<8x1x512xf32> to vector<8x64x512xf32>
    %eq3A_568 = arith.cmpf oeq, %eq3A_566, %eq3A_567 : vector<8x64x512xf32>
    %jit3A_569 = arith.constant 0xFF800000 : f32
    %broadcast_in_dim3A_570 = vector.broadcast %jit3A_569 : f32 to vector<8x64x512xf32>
    %select_n3A_571 = arith.select %eq3A_568, %broadcast_in_dim3A_570, %select_n3A_552 : vector<8x64x512xi1>, vector<8x64x512xf32>
    %reduce_max3A_572 = arith.constant dense<0xFF800000> : vector<8x512xf32>
    %reduce_max3A_573 = vector.multi_reduction <maximumf>, %select_n3A_571, %reduce_max3A_572 [1] : vector<8x64x512xf32> to vector<8x512xf32>
    %broadcast_in_dim3A_574 = vector.shape_cast %reduce_max3A_573 : vector<8x512xf32> to vector<8x1x512xf32>
    %eq3A_575 = vector.broadcast %broadcast_in_dim3A_574 : vector<8x1x512xf32> to vector<8x64x512xf32>
    %eq3A_576 = arith.cmpf oeq, %select_n3A_571, %eq3A_575 : vector<8x64x512xf32>
    %jit3A_577 = arith.constant 4.096000e+03 : f32
    %broadcast_in_dim3A_578 = vector.shape_cast %broadcast_in_dim3A_305 : vector<1x64x1xf32> to vector<1x64x1xf32>
    %broadcast_in_dim3A_579 = vector.broadcast %broadcast_in_dim3A_578 : vector<1x64x1xf32> to vector<8x64x512xf32>
    %broadcast_in_dim3A_580 = vector.broadcast %jit3A_577 : f32 to vector<8x64x512xf32>
    %select_n3A_581 = arith.select %eq3A_576, %broadcast_in_dim3A_579, %broadcast_in_dim3A_580 : vector<8x64x512xi1>, vector<8x64x512xf32>
    %reduce_min3A_582 = arith.constant dense<0x7F800000> : vector<8x512xf32>
    %reduce_min3A_583 = vector.multi_reduction <minimumf>, %select_n3A_581, %reduce_min3A_582 [1] : vector<8x64x512xf32> to vector<8x512xf32>
    %broadcast_in_dim3A_584 = vector.shape_cast %reduce_min3A_583 : vector<8x512xf32> to vector<8x1x512xf32>
    %eq3A_585 = vector.broadcast %broadcast_in_dim3A_305 : vector<1x64x1xf32> to vector<8x64x512xf32>
    %eq3A_586 = vector.broadcast %broadcast_in_dim3A_584 : vector<8x1x512xf32> to vector<8x64x512xf32>
    %eq3A_587 = arith.cmpf oeq, %eq3A_585, %eq3A_586 : vector<8x64x512xf32>
    %jit3A_588 = arith.constant 0xFF800000 : f32
    %broadcast_in_dim3A_589 = vector.broadcast %jit3A_588 : f32 to vector<8x64x512xf32>
    %select_n3A_590 = arith.select %eq3A_587, %broadcast_in_dim3A_589, %select_n3A_571 : vector<8x64x512xi1>, vector<8x64x512xf32>
    %reduce_max3A_591 = arith.constant dense<0xFF800000> : vector<8x512xf32>
    %reduce_max3A_592 = vector.multi_reduction <maximumf>, %select_n3A_590, %reduce_max3A_591 [1] : vector<8x64x512xf32> to vector<8x512xf32>
    %broadcast_in_dim3A_593 = vector.shape_cast %reduce_max3A_592 : vector<8x512xf32> to vector<8x1x512xf32>
    %eq3A_594 = vector.broadcast %broadcast_in_dim3A_593 : vector<8x1x512xf32> to vector<8x64x512xf32>
    %eq3A_595 = arith.cmpf oeq, %select_n3A_590, %eq3A_594 : vector<8x64x512xf32>
    %jit3A_596 = arith.constant 4.096000e+03 : f32
    %broadcast_in_dim3A_597 = vector.shape_cast %broadcast_in_dim3A_305 : vector<1x64x1xf32> to vector<1x64x1xf32>
    %broadcast_in_dim3A_598 = vector.broadcast %broadcast_in_dim3A_597 : vector<1x64x1xf32> to vector<8x64x512xf32>
    %broadcast_in_dim3A_599 = vector.broadcast %jit3A_596 : f32 to vector<8x64x512xf32>
    %select_n3A_600 = arith.select %eq3A_595, %broadcast_in_dim3A_598, %broadcast_in_dim3A_599 : vector<8x64x512xi1>, vector<8x64x512xf32>
    %reduce_min3A_601 = arith.constant dense<0x7F800000> : vector<8x512xf32>
    %reduce_min3A_602 = vector.multi_reduction <minimumf>, %select_n3A_600, %reduce_min3A_601 [1] : vector<8x64x512xf32> to vector<8x512xf32>
    %broadcast_in_dim3A_603 = vector.shape_cast %reduce_min3A_602 : vector<8x512xf32> to vector<8x1x512xf32>
    %concatenate3A_604 = tpu.concatenate %broadcast_in_dim3A_308, %broadcast_in_dim3A_327, %broadcast_in_dim3A_346, %broadcast_in_dim3A_365, %broadcast_in_dim3A_384, %broadcast_in_dim3A_403, %broadcast_in_dim3A_422, %broadcast_in_dim3A_441, %broadcast_in_dim3A_460, %broadcast_in_dim3A_479, %broadcast_in_dim3A_498, %broadcast_in_dim3A_517, %broadcast_in_dim3A_536, %broadcast_in_dim3A_555, %broadcast_in_dim3A_574, %broadcast_in_dim3A_593 in 1 : vector<8x1x512xf32>, vector<8x1x512xf32>, vector<8x1x512xf32>, vector<8x1x512xf32>, vector<8x1x512xf32>, vector<8x1x512xf32>, vector<8x1x512xf32>, vector<8x1x512xf32>, vector<8x1x512xf32>, vector<8x1x512xf32>, vector<8x1x512xf32>, vector<8x1x512xf32>, vector<8x1x512xf32>, vector<8x1x512xf32>, vector<8x1x512xf32>, vector<8x1x512xf32> -> vector<8x16x512xf32>
    %concatenate3A_605 = tpu.concatenate %broadcast_in_dim3A_318, %broadcast_in_dim3A_337, %broadcast_in_dim3A_356, %broadcast_in_dim3A_375, %broadcast_in_dim3A_394, %broadcast_in_dim3A_413, %broadcast_in_dim3A_432, %broadcast_in_dim3A_451, %broadcast_in_dim3A_470, %broadcast_in_dim3A_489, %broadcast_in_dim3A_508, %broadcast_in_dim3A_527, %broadcast_in_dim3A_546, %broadcast_in_dim3A_565, %broadcast_in_dim3A_584, %broadcast_in_dim3A_603 in 1 : vector<8x1x512xf32>, vector<8x1x512xf32>, vector<8x1x512xf32>, vector<8x1x512xf32>, vector<8x1x512xf32>, vector<8x1x512xf32>, vector<8x1x512xf32>, vector<8x1x512xf32>, vector<8x1x512xf32>, vector<8x1x512xf32>, vector<8x1x512xf32>, vector<8x1x512xf32>, vector<8x1x512xf32>, vector<8x1x512xf32>, vector<8x1x512xf32>, vector<8x1x512xf32> -> vector<8x16x512xf32>
    %convert_element_type3A_606 = arith.fptosi %concatenate3A_605 : vector<8x16x512xf32> to vector<8x16x512xi32>
    %slice3A_607 = vector.extract_strided_slice %concatenate3A_604 {offsets = [0, 0, 0], sizes = [8, 1, 512], strides = [1, 1, 1]} : vector<8x16x512xf32> to vector<8x1x512xf32>
    %sub3A = vector.broadcast %slice3A_607 : vector<8x1x512xf32> to vector<8x16x512xf32>
    %sub3A_608 = arith.subf %concatenate3A_604, %sub3A : vector<8x16x512xf32>
    %exp3A = math.exp %sub3A_608 : vector<8x16x512xf32>
    %reduce_sum3A = arith.constant dense<0.000000e+00> : vector<8x512xf32>
    %reduce_sum3A_609 = vector.multi_reduction <add>, %exp3A, %reduce_sum3A [1] : vector<8x16x512xf32> to vector<8x512xf32>
    %broadcast_in_dim3A_610 = vector.shape_cast %reduce_sum3A_609 : vector<8x512xf32> to vector<8x1x512xf32>
    %div3A = vector.broadcast %broadcast_in_dim3A_610 : vector<8x1x512xf32> to vector<8x16x512xf32>
    %div3A_611 = arith.divf %exp3A, %div3A : vector<8x16x512xf32>
    %swap3A = arith.constant 0 : index
    %swap3A_612 = arith.constant 0 : index
    %swap3A_613 = arith.constant 0 : index
    %swap3A_614 = vector.load %arg4[%swap3A, %swap3A_612, %swap3A_613] : memref<8x16x512xf32, #tpu.memory_space<vmem>>, vector<8x16x512xf32>
    tpu.vector_store %arg4[%swap3A, %swap3A_612, %swap3A_613], %div3A_611 {strides = array<i32>} : memref<8x16x512xf32, #tpu.memory_space<vmem>>, vector<8x16x512xf32>,
    %swap3A_615 = arith.constant 0 : index
    %swap3A_616 = arith.constant 0 : index
    %swap3A_617 = arith.constant 0 : index
    %swap3A_618 = vector.load %arg5[%swap3A_615, %swap3A_616, %swap3A_617] : memref<8x16x512xi32, #tpu.memory_space<vmem>>, vector<8x16x512xi32>
    tpu.vector_store %arg5[%swap3A_615, %swap3A_616, %swap3A_617], %convert_element_type3A_606 {strides = array<i32>} : memref<8x16x512xi32, #tpu.memory_space<vmem>>, vector<8x16x512xi32>,
    return
  }
  func.func @transform_0(%arg0: i32) -> (i32, i32) {
    %c0_i32 = arith.constant 0 : i32
    %c0_i32_0 = arith.constant 0 : i32
    return %arg0, %c0_i32 : i32, i32
  }
  func.func @transform_1(%arg0: i32) -> (i32, i32) {
    %c0_i32 = arith.constant 0 : i32
    %c0_i32_0 = arith.constant 0 : i32
    %c0_i32_1 = arith.constant 0 : i32
    return %c0_i32, %c0_i32_0 : i32, i32
  }
  func.func @transform_2(%arg0: i32) -> (i32, i32) {
    %c0_i32 = arith.constant 0 : i32
    %c0_i32_0 = arith.constant 0 : i32
    %c0_i32_1 = arith.constant 0 : i32
    return %c0_i32, %c0_i32_0 : i32, i32
  }
  func.func @transform_3(%arg0: i32) -> (i32, i32, i32) {
    %c0_i32 = arith.constant 0 : i32
    %c0_i32_0 = arith.constant 0 : i32
    %c0_i32_1 = arith.constant 0 : i32
    return %c0_i32, %c0_i32_0, %arg0 : i32, i32, i32
  }
  func.func @transform_4(%arg0: i32) -> (i32, i32, i32) {
    %c0_i32 = arith.constant 0 : i32
    %c0_i32_0 = arith.constant 0 : i32
    %c0_i32_1 = arith.constant 0 : i32
    return %c0_i32, %c0_i32_0, %arg0 : i32, i32, i32
  }
}

module attributes {stable_mosaic.version = 14 : i64} {
  func.func @_out_body(%arg0: i32, %arg1: memref<512x1024xf32, #tpu.memory_space<vmem>>, %arg2: memref<1024x256xf32, #tpu.memory_space<vmem>>, %arg3: memref<256x1024xf32, #tpu.memory_space<vmem>>, %arg4: memref<512x256xf32, #tpu.memory_space<vmem>>, %arg5: memref<512x1024xf32, #tpu.memory_space<vmem>>) attributes {dimension_semantics = [#tpu.dimension_semantics<arbitrary>], iteration_bounds = array<i64: 4>, scalar_prefetch = 0 : i64, scratch_operands = 0 : i64, tpu.core_type = #tpu.core_type<tc>, window_params = [{transform_indices = @transform_0, window_bounds = array<i64: 512, 1024>}, {pipeline_mode = #tpu.pipeline_mode<synchronous>, transform_indices = @transform_1, window_bounds = array<i64: 1024, 256>}, {pipeline_mode = #tpu.pipeline_mode<synchronous>, transform_indices = @transform_2, window_bounds = array<i64: 256, 1024>}, {transform_indices = @transform_3, window_bounds = array<i64: 512, 256>}, {transform_indices = @transform_4, window_bounds = array<i64: 512, 1024>}]} {
    %get3A = arith.constant 0 : index
    %get3A_0 = arith.constant 0 : index
    %get3A_1 = vector.load %arg1[%get3A, %get3A_0] : memref<512x1024xf32, #tpu.memory_space<vmem>>, vector<512x1024xf32>
    %get3A_2 = arith.constant 0 : index
    %get3A_3 = arith.constant 0 : index
    %get3A_4 = vector.load %arg2[%get3A_2, %get3A_3] : memref<1024x256xf32, #tpu.memory_space<vmem>>, vector<1024x256xf32>
    %dot_general3A = arith.constant dense<0.000000e+00> : vector<512x256xf32>
    %dot_general3A_5 = tpu.matmul %get3A_1, %get3A_4, %dot_general3A {dimension_numbers = #tpu.dot_dimension_numbers<[1], [0], [0], [1], [0, 0, 1, 1], [], []>, transpose_lhs_hint = false} : vector<512x1024xf32>, vector<1024x256xf32>, vector<512x256xf32> -> vector<512x256xf32>
    %mul3A = arith.constant 5.000000e-01 : f32
    %mul3A_6 = vector.broadcast %mul3A : f32 to vector<512x256xf32>
    %mul3A_7 = arith.mulf %mul3A_6, %dot_general3A_5 : vector<512x256xf32>
    %mul3A_8 = arith.constant 0.707106769 : f32
    %mul3A_9 = vector.broadcast %mul3A_8 : f32 to vector<512x256xf32>
    %mul3A_10 = arith.mulf %dot_general3A_5, %mul3A_9 : vector<512x256xf32>
    %erf3A = math.erf %mul3A_10 : vector<512x256xf32>
    %add3A = arith.constant 1.000000e+00 : f32
    %add3A_11 = vector.broadcast %add3A : f32 to vector<512x256xf32>
    %add3A_12 = arith.addf %add3A_11, %erf3A : vector<512x256xf32>
    %mul3A_13 = arith.mulf %mul3A_7, %add3A_12 : vector<512x256xf32>
    %get3A_14 = arith.constant 0 : index
    %get3A_15 = arith.constant 0 : index
    %get3A_16 = vector.load %arg4[%get3A_14, %get3A_15] : memref<512x256xf32, #tpu.memory_space<vmem>>, vector<512x256xf32>
    %mul3A_17 = arith.mulf %mul3A_13, %get3A_16 : vector<512x256xf32>
    %get3A_18 = arith.constant 0 : index
    %get3A_19 = arith.constant 0 : index
    %get3A_20 = vector.load %arg3[%get3A_18, %get3A_19] : memref<256x1024xf32, #tpu.memory_space<vmem>>, vector<256x1024xf32>
    %dot_general3A_21 = arith.constant dense<0.000000e+00> : vector<512x1024xf32>
    %dot_general3A_22 = tpu.matmul %mul3A_17, %get3A_20, %dot_general3A_21 {dimension_numbers = #tpu.dot_dimension_numbers<[1], [0], [0], [1], [0, 0, 1, 1], [], []>, transpose_lhs_hint = false} : vector<512x256xf32>, vector<256x1024xf32>, vector<512x1024xf32> -> vector<512x1024xf32>
    %swap3A = arith.constant 0 : index
    %swap3A_23 = arith.constant 0 : index
    %swap3A_24 = vector.load %arg5[%swap3A, %swap3A_23] : memref<512x1024xf32, #tpu.memory_space<vmem>>, vector<512x1024xf32>
    tpu.vector_store %arg5[%swap3A, %swap3A_23], %dot_general3A_22 {strides = array<i32>} : memref<512x1024xf32, #tpu.memory_space<vmem>>, vector<512x1024xf32>,
    return
  }
  func.func @transform_0(%arg0: i32) -> (i32, i32) {
    %c0_i32 = arith.constant 0 : i32
    %c0_i32_0 = arith.constant 0 : i32
    return %arg0, %c0_i32 : i32, i32
  }
  func.func @transform_1(%arg0: i32) -> (i32, i32) {
    %c0_i32 = arith.constant 0 : i32
    %c0_i32_0 = arith.constant 0 : i32
    %c0_i32_1 = arith.constant 0 : i32
    return %c0_i32, %c0_i32_0 : i32, i32
  }
  func.func @transform_2(%arg0: i32) -> (i32, i32) {
    %c0_i32 = arith.constant 0 : i32
    %c0_i32_0 = arith.constant 0 : i32
    %c0_i32_1 = arith.constant 0 : i32
    return %c0_i32, %c0_i32_0 : i32, i32
  }
  func.func @transform_3(%arg0: i32) -> (i32, i32) {
    %c0_i32 = arith.constant 0 : i32
    %c0_i32_0 = arith.constant 0 : i32
    return %arg0, %c0_i32 : i32, i32
  }
  func.func @transform_4(%arg0: i32) -> (i32, i32) {
    %c0_i32 = arith.constant 0 : i32
    %c0_i32_0 = arith.constant 0 : i32
    return %arg0, %c0_i32 : i32, i32
  }
}

</mosaic_0001>

<sc_bundles>
// kernel: kernel.6.cloned.1.call-start
scs
__scs_entry_jumppad:
0x0: {  	(pc) =	sbr.rel $0x88, $3  }
0x1: {  	(tag) =	ssettag $0x0;
	lr =	simm.s32 $0x1  }
0x2: {  	[smem:$0x3F9C] =	sst lr;
	_ =	strace $0xD0000000  }
0x3: {  	_ = 	snop  }
0x4: {  	_ = 	snop  }
0x5: {  	_ = 	snop  }
0x6: {  	_ = 	snop  }
0x7: {  	_ = 	snop  }
__scs_overlays_trampoline_lowered:
0x8: {  	[smem:$0x3FAB] =	sst s0  }
0x9: {  	[smem:$0x3FAC] =	sst s1  }
0xa: {  	[smem:$0x3FAD] =	sst s2  }
0xb: {  	[smem:$0x3FAE] =	sst s3  }
0xc: {  	[smem:$0x3FAF] =	sst s4  }
0xd: {  	[smem:$0x3FB0] =	sst s5  }
0xe: {  	[smem:$0x3FB1] =	sst s6  }
0xf: {  	[smem:$0x3FB2] =	sst s7  }
0x10: {  	[smem:$0x3FB3] =	sst s8  }
0x11: {  	[smem:$0x3FB4] =	sst s9;
	s0 =	simm.s32 @!p0 $0x0  }
0x12: {  	s1 =	sld [smem:$0x3F9A];
	s0 =	simm.s32 @p0 $0x1  }
0x13: {  	[smem:$0x3FB5] =	sst s0;
	s0 =	simm.s32 @!p1 $0x0  }
0x14: {  	s2 =	sld [smem:$0x3F99];
	s0 =	simm.s32 @p1 $0x1  }
0x15: {  	[smem:$0x3FB6] =	sst s0;
	s0 =	simm.s32 @!p2 $0x0  }
0x16: {  	s3 =	sld [smem:$0x3FDB];
	s0 =	simm.s32 @p2 $0x1  }
0x17: {  	s4 =	simm.s32 $0x1BF5;
	[smem:$0x3FB8] =	sst s0  }
0x18: {  	s0 =	sld [smem:$0x3F9B];
	_ =	swait.ge [sflag:s4], $0x0  }
0x19: {  	s7 =	sld [smem:$0x3F9C]  }
0x1a: {  	s8 =	sadd.s32 $0xFFFFE003, lr  }
0x1b: {  	s9 =	sadd.s32 $0xFFFFFEF7, lr;
	s5 =	simm.s32 $0xFFFFFFFF;
	p2 =	slt.u32 s8, $0xFFFFF086  }
0x1c: {  	p1 =	slt.u32 s9, $0xF7A;
	s5 =	simm.s32 @!p2 $0x0  }
0x1d: {  	s5 =	simm.s32 @p1 $0x1;
	p0 =	seq.s32 s7, s2  }
0x1e: {  	s7 =	smul.u32 @!p0 $0xF7A, s2;
	p2 =	seq.s32 @!p0 s5, $0x0  }
0x1f: {  	s9 =	smul.u32 $0xF7A, s1;
	s8 =	simm.s32 @!p0 $0x1BF5;
	p2 =	por !p2, p0  }
0x20: {  	[sflag:s8] =	ssyncset.s32 @!p0 $0xFFFFF086;
	s6 =	sadd.s32 @!p0 s3, s7;
	s7 =	simm.s32 @!p0 $0x108  }
0x21: {  	s3 =	sadd.s32 s3, s9;
	s6 =	sadd.s32 @!p0 $0x88, s6;
	s7 =	simm.s32 @p2 $0x1082  }
0x22: {  	[simem:s7], [sflag:s8] =	dma.local @!p0 [hbm:s6], $0xF7A  }
0x23: {  	s9 =	sor.u32 $0xD0000000, s2;
	s6 =	simm.s32 $0x108;
	_ =	swait.ge @!p0 [sflag:s8], $0x0  }
0x24: {  	s3 =	sadd.s32 $0x88, s3;
	s6 =	simm.s32 @!p1 $0x1082;
	[sflag:s4] =	ssyncset.s32 $0xFFFFF086  }
0x25: {  	[simem:s6], [sflag:s4] =	dma.local [hbm:s3], $0xF7A  }
0x26: {  	[smem:$0x3F9C] =	sst s1;
	(tag) =	ssettag s2;
	_ =	strace s9  }
0x27: {  	s1 =	sld [smem:$0x3FAC]  }
0x28: {  	s2 =	sld [smem:$0x3FAD]  }
0x29: {  	s4 =	sld [smem:$0x3FAF]  }
0x2a: {  	p0 =	seq.s32 s5, $0x0;
	s5 =	sld [smem:$0x3FB0]  }
0x2b: {  	s6 =	sld [smem:$0x3FB1]  }
0x2c: {  	s7 =	sld [smem:$0x3FB2]  }
0x2d: {  	s3 =	simm.s32 $0x108;
	s8 =	sld [smem:$0x3FB3]  }
0x2e: {  	s3 =	simm.s32 @!p0 $0x1082;
	s9 =	sld [smem:$0x3FB4]  }
0x2f: {  	lr =	sadd.s32 s0, s3;
	s0 =	sld [smem:$0x3FAB]  }
0x30: {  	s3 =	sld [smem:$0x3FAE]  }
0x31: {  	[smem:$0x3FB7] =	sst s10  }
0x32: {  	s10 =	sld [smem:$0x3FB5];
	_ =	sdelay $0x3  }
0x33: {  	p0 =	seq.s32 s10, $0x1;
	s10 =	sld [smem:$0x3FB7];
	_ =	sdelay $0x3  }
0x34: {  	[smem:$0x3FB7] =	sst s10  }
0x35: {  	s10 =	sld [smem:$0x3FB6];
	_ =	sdelay $0x3  }
0x36: {  	p1 =	seq.s32 s10, $0x1;
	s10 =	sld [smem:$0x3FB7];
	_ =	sdelay $0x3  }
0x37: {  	[smem:$0x3FB7] =	sst s10  }
0x38: {  	s10 =	sld [smem:$0x3FB8]  }
0x39: {  	_ = 	snop;
	(pc) =	sbr.ind lr, $3  }
0x3a: {  	_ = 	snop  }
0x3b: {  	_ = 	snop  }
0x3c: {  	p2 =	seq.s32 s10, $0x1;
	s10 =	sld [smem:$0x3FB7]  }
0x3d: {  	_ =	shalt  }
0x3e: {  	_ =	shalt  }
0x3f: {  	_ =	shalt  }
0x40: {  	_ =	shalt  }
0x41: {  	_ =	shalt  }
0x42: {  	_ =	shalt  }
0x43: {  	_ =	shalt  }
0x44: {  	_ =	shalt  }
0x45: {  	_ =	shalt  }
0x46: {  	_ =	shalt  }
0x47: {  	_ =	shalt  }
0x48: {  	_ =	shalt  }
0x49: {  	_ =	shalt  }
0x4a: {  	_ =	shalt  }
0x4b: {  	_ =	shalt  }
0x4c: {  	_ =	shalt  }
0x4d: {  	_ =	shalt  }
0x4e: {  	_ =	shalt  }
0x4f: {  	_ =	shalt  }
0x50: {  	_ =	shalt  }
0x51: {  	_ =	shalt  }
0x52: {  	_ =	shalt  }
0x53: {  	_ =	shalt  }
0x54: {  	_ =	shalt  }
0x55: {  	_ =	shalt  }
0x56: {  	_ =	shalt  }
0x57: {  	_ =	shalt  }
0x58: {  	_ =	shalt  }
0x59: {  	_ =	shalt  }
0x5a: {  	_ =	shalt  }
0x5b: {  	_ =	shalt  }
0x5c: {  	_ =	shalt  }
0x5d: {  	_ =	shalt  }
0x5e: {  	_ =	shalt  }
0x5f: {  	_ =	shalt  }
0x60: {  	_ =	shalt  }
0x61: {  	_ =	shalt  }
0x62: {  	_ =	shalt  }
0x63: {  	_ =	shalt  }
0x64: {  	_ =	shalt  }
0x65: {  	_ =	shalt  }
0x66: {  	_ =	shalt  }
0x67: {  	_ =	shalt  }
0x68: {  	_ =	shalt  }
0x69: {  	_ =	shalt  }
0x6a: {  	_ =	shalt  }
0x6b: {  	_ =	shalt  }
0x6c: {  	_ =	shalt  }
0x6d: {  	_ =	shalt  }
0x6e: {  	_ =	shalt  }
0x6f: {  	_ =	shalt  }
0x70: {  	_ =	shalt  }
0x71: {  	_ =	shalt  }
0x72: {  	_ =	shalt  }
0x73: {  	_ =	shalt  }
0x74: {  	_ =	shalt  }
0x75: {  	_ =	shalt  }
0x76: {  	_ =	shalt  }
0x77: {  	_ =	shalt  }
0x78: {  	_ =	shalt  }
0x79: {  	_ =	shalt  }
0x7a: {  	_ =	shalt  }
0x7b: {  	_ =	shalt  }
0x7c: {  	_ =	shalt  }
0x7d: {  	_ =	shalt  }
0x7e: {  	_ =	shalt  }
0x7f: {  	_ =	shalt  }
0x80: {  	_ =	shalt  }
0x81: {  	_ =	shalt  }
0x82: {  	_ =	shalt  }
0x83: {  	_ =	shalt  }
0x84: {  	_ =	shalt  }
0x85: {  	_ =	shalt  }
0x86: {  	_ =	shalt  }
0x87: {  	_ =	shalt  }
.Lfunc_end0:
.L_simem_size_0:
called_computation_lowered:
.L_overlay_start_0:
0x88: {  	s2 =	sld [smem:$0x3FD9]  }
0x89: {  	s3 =	sld [smem:$0x3FFE];
	_ =	sdelay $0x1  }
0x8a: {  	s1 =	srdreg.scid  }
0x8b: {  	s0 =	sand.u32 $0x1, s1  }
0x8c: {  	s17 =	sshll.u32 s0, $0xA;
	s2 =	sadd.s32 s3, s2  }
0x8d: {  	s2 =	sadd.s32 s2, s17  }
0x8e: {  	[smem:$0x3FC3] =	sst s2  }
0x8f: {  	_ = 	snop  }
0x90: {  	s2 =	sld [smem:$0x3FD0];
	(tm) =	ssettm $0x1  }
0x91: {  	s18 =	sld [smem:$0x3FFB];
	_ =	sdelay $0x3  }
0x92: {  	_ =	strace s18  }
0x93: {  	s3 =	sld [smem:$0x3FFC];
	_ =	sdelay $0x3  }
0x94: {  	_ =	strace s3  }
0x95: {  	s3 =	sld [smem:$0x3FFD];
	_ =	sdelay $0x3  }
0x96: {  	_ =	strace s3  }
0x97: {  	_ =	strace $0x8FFFFFFF  }
0x98: {  	s19 =	sld [smem:$0x3FDB];
	_ =	sdelay $0x1  }
0x99: {  	s4 =	simm.s32 $_scs_section_size  }
0x9a: {  	s5 =	simm.s32 $_size__tile_overlayer_lowered;
	s6 =	simm.s32 $_tile_overlayer_lowered  }
0x9b: {  	s22 =	simm.s32 $0x1BFF;
	s21 =	sshll.u32 s6, $0x1;
	s3 =	sadd.s32 s4, s19  }
0x9c: {  	s7 =	simm.s32 $0x0;
	s20 =	sshll.u32 s5, $0x1;
	s5 =	sadd.s32 s21, s3  }
0x9d: {  	[timem:s7], [sflag:s22] =	dma.local [hbm:s5], s20  }
0x9e: {  	_ =	swait.ge [sflag:s22], s20  }
0x9f: {  	s4 =	ssub.s32 $0x0, s20;
	[sflag:s22] =	ssyncset.done $0x0  }
0xa0: {  	[sflag:s22] =	ssyncadd.s32 s4;
	_ =	sdelay $0x1  }
0xa1: {  	s23 =	simm.s32 $0x1B8B  }
0xa2: {  	_ =	swait.ge [sflag:s23], $0x1  }
0xa3: {  	[sflag:s23] =	ssyncset.done $0x0  }
0xa4: {  	s25 =	simm.s32 $0x1B8E;
	s24 =	sld [smem:$0x3FFE];
	[sflag:s23] =	ssyncadd.s32 $0xFFFFFFFF  }
0xa5: {  	s26 =	simm.s32 $execute0_lowered;
	[smem:$0x3FD2] =	sst s25  }
0xa6: {  	s5 =	sshll.u32 s26, $0x1;
	_ =	strace $0x80000046;
	[dreg:$0x1] =	wrdreg $0xFFFFFFFF  }
0xa7: {  	s28 =	simm.s32 $_size_execute0_lowered;
	s3 =	sadd.s32 s3, s5;
	[dreg:$0x0] =	wrdreg $0x0  }
0xa8: {  	s5 =	sshll.u32 s28, $0x1;
	[dreg:$0x2] =	wrdreg s3  }
0xa9: {  	[dreg:$0x3] =	wrdreg s5  }
0xaa: {  	[dreg:$0x4] =	wrdreg $0xC0  }
0xab: {  	_ =	task [dreg:s7], $0x5FFFF  }
0xac: {  	[dreg:$0x1] =	wrdreg $0xFFFFFFFF  }
0xad: {  	[dreg:$0x0] =	wrdreg $0x60  }
0xae: {  	[dreg:$0x2] =	wrdreg s24  }
0xaf: {  	[dreg:$0x3] =	wrdreg s2  }
0xb0: {  	[dreg:$0x4] =	wrdreg $0x9  }
0xb1: {  	_ =	task.clear_ibuf [dreg:s7], $0x5FFFF;
	_ =	strace $0x90000046  }
0xb2: {  	s29 =	simm.s32 $0x9;
	_ =	strace $0x80000048  }
0xb3: {  	_ =	swait.ge [sflag:s29], $0x1  }
0xb4: {  	[sflag:s29] =	ssyncadd.s32 $0xFFFFFFFF  }
0xb5: {  	_ =	strace $0x90000048  }
0xb6: {  	_ =	sfence  }
0xb7: {  	s30 =	sld [smem:$0x0];
	_ =	sdelay $0x2  }
0xb8: {  	s31 =	sshll.u32 s1, $0xD;
	s1 =	sshrl.u32 s1, $0x2  }
0xb9: {  	s3 =	sand.u32 $0x4000, s31;
	s1 =	sadd.s32 s1, s30  }
0xba: {  	s0 =	sor.u32 s3, s0;
	s1 =	sshll.u32 s1, $0x11  }
0xbb: {  	s0 =	sor.u32 s1, s0  }
0xbc: {  	s0 =	sadd.s32 $0x8F2B, s0  }
0xbd: {  	[sflag:s0] =	ssyncadd.remote.s32 $0x1  }
0xbe: {  	_ =	sfence.sel $0xFFFF  }
0xbf: {  	[dreg:$0x0] =	wrdreg $0xFFFFFFFF;
	(pc) =	sbr.abs _section_cstart, $3  }
0xc0: {  	[dreg:$0x1] =	wrdreg $0xFFFFFFFF  }
0xc1: {  	_ =	task.clear_ibuf [dreg:s7], $0x2FFFF;
	_ =	strace $0x9FFFFFFF  }
0xc2: {  	(tm) =	ssettm $0x7FFFFFFF  }
0xc3: {  	_ =	shalt  }
tec
execute0_lowered:
.L_overlay_start_1:
0x0: {  	(tag) =	ssettag $0x1  }
0x1: {  	s3 =	rddreg [dreg:$0x0]  }
0x2: {  	s6 =	rddreg [dreg:$0x1]  }
0x3: {  	s0 =	rddreg [dreg:$0x2]  }
0x4: {  	s4 =	srdreg.scid;
	s1 =	stileid.u32  }
0x5: {  	s2 =	simm.s32 $0x0;
	s9 =	simm.s32 $0x2000;
	s10 =	simm.s32 $0x4000  }
0x6: {  	s11 =	simm.s32 $0x0;
	s4 =	sand.u32 $0x1, s4;
	s5 =	sshll.u32 s1, $0x1  }
0x7: {  	[smem:$0x7FF] =	sst s2;
	s7 =	sor.u32 s4, s5;
	s4 =	ssub.s32 $0x2, s4  }
0x8: {  	v0 =	vlaneseq.u32;
	_ =	strace $0x80000047;
	s5 =	sshll.u32 s7, $0xA;
	s8 =	sshrl.u32 s4, $0x1  }
0x9: {  	v0 =	vmul.u32 $0x100, v0;
	s7 =	sshll.u32 s7, $0xB;
	s5 =	sadd.s32 s5, s3;
	s3 =	sadd.s32 $0x11400, s3  }
0xa: {  	s8 =	ssub.s32 s4, s8;
	s6 =	sadd.s32 s6, s7;
	s4 =	sadd.s32 $0x1400, s5  }
0xb: {  	v1 =	vor.u32 $0x1000, v0;
	v2 =	vor.u32 $0x2000, v0;
	v3 =	vor.u32 $0x3000, v0;
	s5 =	sadd.s32 $0x9400, s5;
	s7 =	smax.u32 s8, $0x1;
	s8 =	simm.s32 $0x1  }
.LBB2_1:
0xc: {  	[tilespmem:s2], [sflag:$0x1] =	stream.linear.gather [hbm4b:s4+s2], $0x2000, $0x38;
	[tilespmem:$0x8000] =	vst v63  }
0xd: {  	_ =	swait.ge [sflag:s8], $0x2000  }
0xe: {  	[sflag:s8] =	ssyncset.done $0x0  }
0xf: {  	[sflag:s8] =	ssyncadd.s32 $0xFFFFE000  }
0x10: {  	[tilespmem:s9], [sflag:$0x1] =	stream.linear.gather [hbm4b:s5+s2], $0x2000, $0x38;
	[tilespmem:$0x8000] =	vst v63  }
0x11: {  	_ =	swait.ge [sflag:s8], $0x2000  }
0x12: {  	[sflag:s8] =	ssyncset.done $0x0  }
0x13: {  	[sflag:s8] =	ssyncadd.s32 $0xFFFFE000  }
0x14: {  	[tilespmem:s10], [sflag:$0x1] =	stream.linear.gather [hbm4b:s3+s2], $0x4000, $0x38;
	[tilespmem:$0x8000] =	vst v63  }
0x15: {  	_ =	swait.ge [sflag:s8], $0x4000  }
0x16: {  	[sflag:s8] =	ssyncset.done $0x0  }
0x17: {  	s12 =	simm.s32 $0x0;
	[sflag:s8] =	ssyncadd.s32 $0xFFFFC000  }
.LBB2_2:
0x18: {  	s13 =	sshra.s32 s12, $0x2  }
0x19: {  	v4 =	vld [tilespmem:s13+$0x0];
	_ =	sdelay $0x4  }
0x1a: {  	v5 =	vld [tilespmem:s13+$0x2000];
	v4 =	vadd.s32 v0, v4;
	_ =	sdelay $0x4  }
0x1b: {  	[tilespmem:v4+s10+$0x0] =	vst.idx.add.f32.msk $0xffff, v5  }
0x1c: {  	v4 =	vld [tilespmem:s13+$0x10];
	_ =	sdelay $0x4  }
0x1d: {  	v5 =	vld [tilespmem:s13+$0x2010];
	v4 =	vadd.s32 v1, v4;
	_ =	sdelay $0x4  }
0x1e: {  	[tilespmem:v4+s10+$0x0] =	vst.idx.add.f32.msk $0xffff, v5  }
0x1f: {  	v4 =	vld [tilespmem:s13+$0x20];
	_ =	sdelay $0x4  }
0x20: {  	v5 =	vld [tilespmem:s13+$0x2020];
	v4 =	vadd.s32 v2, v4;
	_ =	sdelay $0x4  }
0x21: {  	[tilespmem:v4+s10+$0x0] =	vst.idx.add.f32.msk $0xffff, v5  }
0x22: {  	v4 =	vld [tilespmem:s13+$0x30];
	_ =	sdelay $0x4  }
0x23: {  	p0 =	sne.s32 s12, $0x7F00;
	v5 =	vld [tilespmem:s13+$0x2030];
	v4 =	vadd.s32 v3, v4  }
.Ltmp0:
0x24: {  	_ = 	snop;
	(pc) =	sbr.rel @p0 .LBB2_2-.Ltmp0, $2  }
0x25: {  	_ =	sdelay $0x2  }
0x26: {  	s12 =	sadd.s32 $0x100, s12;
	[tilespmem:v4+s10+$0x0] =	vst.idx.add.f32.msk $0xffff, v5  }
0x27: {  	s11 =	sadd.s32 $0x1, s11  }
0x28: {  	p0 =	sne.s32 s11, s7  }
.Ltmp1:
0x29: {  	_ = 	snop;
	(pc) =	sbr.rel @p0 .LBB2_1-.Ltmp1, $4  }
0x2a: {  	[hbm4b:s6+s2] =	stream.linear.scatter [tilespmem:s10], [sflag:$0x1], $0x4000, $0x38;
	[tilespmem:$0x8000] =	vst v63  }
0x2b: {  	_ =	swait.ge [sflag:s8], $0x4000  }
0x2c: {  	[sflag:s8] =	ssyncset.done $0x0  }
0x2d: {  	[sflag:s8] =	ssyncadd.s32 $0xFFFFC000  }
0x2e: {  	_ =	sfence.sel $0x180000  }
0x2f: {  	[bflag:$0x0] =	sbarrier.arrive $0xFFFF  }
0x30: {  	p0 =	sne.s32 s1, $0x0;
	_ =	strace $0x90000047  }
0x31: {  	s0 =	sadd.s32 @!p0 $0x100000, s0;
	[bflag:$0x2] =	sbarrier.arrive $0xFFFF  }
0x32: {  	[sflag:s0] =	ssyncadd.tile.s32 @!p0 $0x1;
	_ =	shalt  }
.Lfunc_end2:
_tile_overlayer_lowered:
.L_overlay_start_2:
0x33: {  	(tag) =	ssettag $0x2  }
0x34: {  	s0 =	rddreg [dreg:$0x0];
	s2 =	stileid.u32  }
0x35: {  	s1 =	rddreg [dreg:$0x1];
	p0 =	sne.s32 s2, $0x0  }
0x36: {  	s3 =	rddreg [dreg:$0x2];
	[bflag:$0x3] =	sbarrier.arrive $0xFFFF;
	s2 =	simm.s32 @!p0 $0x1C01  }
0x37: {  	[timem:s3], [sflag:s2] =	dma.local @!p0 [hbm:s0], s1  }
0x38: {  	s0 =	simm.s32 @!p0 $0x1  }
0x39: {  	_ =	swait.ge @!p0 [sflag:s0], s1  }
0x3a: {  	s1 =	ssub.s32 @!p0 $0x0, s1;
	[sflag:s0] =	ssyncset.done @!p0 $0x0  }
0x3b: {  	[sflag:s0] =	ssyncadd.s32 @!p0 s1  }
0x3c: {  	[bflag:$0x3] =	sbarrier.arrive $0xFFFF  }
0x3d: {  	_ =	shalt  }

</sc_bundles>
